<compile_context>
chip_gen: v7x
topology: tpu7x:2x2x1
jax: 0.10.2.dev20260603
libtpu: 0.0.44.dev20260713+nightly
codegen_flags: <defaults>
</compile_context>

<pallas_src>
import functools

import jax
import jax.numpy as jnp
from jax import lax
from jax.experimental import pallas as pl
from jax.experimental.pallas import tpu as pltpu
from jax.experimental.pallas import tpu_sc as plsc

_B, _K, _N, _E = 4096, 32, 100000, 1600000
_DN, _DE, _DT, _H = 128, 16, 128, 2
_QD = _DN + _DT
_HD = _QD // _H
_OUT = 172

_NC, _NS = 2, 16
_NW = _NC * _NS
_CH = 128
_NBR_ROWS = _B * _K
_CHUNKS_PER_W = _NBR_ROWS // _CH // _NW
_NODE_ROWS_PER_W = _B // _NW


def _sc_gather_edges(edge_tab, edge_ids2d):
    mesh = plsc.VectorSubcoreMesh(core_axis_name="c", subcore_axis_name="s")

    @functools.partial(
        pl.kernel,
        mesh=mesh,
        compiler_params=pltpu.CompilerParams(
            needs_layout_passes=False, use_tc_tiling_on_sc=False),
        out_type=jax.ShapeDtypeStruct((_NBR_ROWS, _DE), jnp.float32),
        scratch_types=[
            pltpu.VMEM((_CHUNKS_PER_W, _CH), jnp.int32),
            pltpu.VMEM((_CH, _DE), jnp.float32),
            pltpu.SemaphoreType.DMA,
        ],
    )
    def edge_k(edge_tab_h, edge_ids_h, edge_out_h, eid_v, erows, sem):
        wid = lax.axis_index("s") * _NC + lax.axis_index("c")
        pltpu.sync_copy(edge_ids_h.at[pl.ds(wid * _CHUNKS_PER_W, _CHUNKS_PER_W)],
                        eid_v)

        def body(c, carry):
            row0 = (wid * _CHUNKS_PER_W + c) * _CH
            pltpu.async_copy(edge_tab_h.at[eid_v.at[c]], erows, sem).wait()
            pltpu.sync_copy(erows, edge_out_h.at[pl.ds(row0, _CH)])
            return carry

        lax.fori_loop(0, _CHUNKS_PER_W, body, 0)

    return edge_k(edge_tab, edge_ids2d)


def _sc_gather(node_tab, nbr_ids2d, node_ids2d):
    mesh = plsc.VectorSubcoreMesh(core_axis_name="c", subcore_axis_name="s")

    @functools.partial(
        pl.kernel,
        mesh=mesh,
        compiler_params=pltpu.CompilerParams(needs_layout_passes=False),
        out_type=(
            jax.ShapeDtypeStruct((_NBR_ROWS, _DN), jnp.float32),
            jax.ShapeDtypeStruct((_B, _DN), jnp.float32),
        ),
        scratch_types=[
            pltpu.VMEM((_CHUNKS_PER_W, _CH), jnp.int32),
            pltpu.VMEM((1, _CH), jnp.int32),
            pltpu.VMEM((_CH, _DN), jnp.float32),
            pltpu.VMEM((_CH, _DN), jnp.float32),
            pltpu.VMEM((_CH, _DN), jnp.float32),
            pltpu.SemaphoreType.DMA,
            pltpu.SemaphoreType.DMA,
            pltpu.SemaphoreType.DMA,
        ],
    )
    def gather_k(node_tab_h, nbr_ids_h, node_ids_h,
                 nbr_out_h, node_out_h,
                 nbr_idx_v, node_idx_v, rows_a, rows_b, node_rows,
                 sem_a, sem_b, sem_n):
        wid = lax.axis_index("s") * _NC + lax.axis_index("c")
        pltpu.sync_copy(nbr_ids_h.at[pl.ds(wid * _CHUNKS_PER_W, _CHUNKS_PER_W)],
                        nbr_idx_v)
        pltpu.sync_copy(node_ids_h.at[pl.ds(wid, 1)], node_idx_v)

        pltpu.async_copy(node_tab_h.at[node_idx_v.at[0]], node_rows, sem_n).wait()
        pltpu.sync_copy(node_rows,
                        node_out_h.at[pl.ds(wid * _NODE_ROWS_PER_W, _CH)])

        base = wid * _CHUNKS_PER_W
        pltpu.async_copy(node_tab_h.at[nbr_idx_v.at[0]], rows_a, sem_a)

        def body(c, carry):
            for par in range(2):
                rows, sem = (rows_a, sem_a) if par == 0 else (rows_b, sem_b)
                nrows, nsem = (rows_b, sem_b) if par == 0 else (rows_a, sem_a)
                cc = 2 * c + par
                pltpu.make_async_copy(node_tab_h.at[nbr_idx_v.at[cc]], rows,
                                      sem).wait()

                @pl.when(cc + 1 < _CHUNKS_PER_W)
                def _():
                    pltpu.async_copy(node_tab_h.at[nbr_idx_v.at[cc + 1]],
                                     nrows, nsem)
                pltpu.sync_copy(rows, nbr_out_h.at[pl.ds((base + cc) * _CH,
                                                         _CH)])
            return carry

        lax.fori_loop(0, _CHUNKS_PER_W // 2, body, 0)

    return gather_k(node_tab, nbr_ids2d, node_ids2d)


_R = 128
_RK = _R * _K


def _tc_body(nbr_ref, edge_ref, node_ref, nit_ref, nt_ref, mask_ref,
             tb_ref, wq_ref, wkn_ref, wke_ref, g_ref,
             wr_ref, br_ref, lng_ref, lnb_ref,
             m1w_ref, m1b_ref, m2w_ref, m2b_ref, out_ref):
    f32 = jnp.float32
    delta = nit_ref[...] - nt_ref[...]
    d2 = delta * delta
    d4 = d2 * d2
    d6 = d4 * d2
    ones = jnp.ones_like(d2)
    dpow = jnp.concatenate([ones, d2, d4, d6], axis=-1)
    dpow2 = dpow.reshape(_RK, 4)
    nbr = nbr_ref[...]
    edge = edge_ref[...]
    kv = (jnp.dot(nbr, wkn_ref[...], preferred_element_type=f32)
          + jnp.dot(edge, wke_ref[...], preferred_element_type=f32)
          + jnp.dot(dpow2, g_ref[...], preferred_element_type=f32))
    kv3 = kv.reshape(_R, _K, 2 * _QD)
    node = node_ref[...]
    t0f = jnp.broadcast_to(jnp.cos(tb_ref[...]), (_R, _DT))
    qin = jnp.concatenate([node, t0f], axis=1)
    q = jnp.dot(qin, wq_ref[...], preferred_element_type=f32)
    q3 = q[:, None, :]
    scale = _HD ** -0.5
    masked = mask_ref[...] == 0.0
    ao_heads = []
    for h in range(_H):
        kh = kv3[:, :, h * _HD:(h + 1) * _HD]
        vh = kv3[:, :, _QD + h * _HD:_QD + (h + 1) * _HD]
        qh = q3[:, :, h * _HD:(h + 1) * _HD]
        logits = jnp.sum(qh * kh, axis=-1, keepdims=True) * scale
        logits = jnp.where(masked, -1e10, logits)
        m = jnp.max(logits, axis=1, keepdims=True)
        e = jnp.exp(logits - m)
        s = e / jnp.sum(e, axis=1, keepdims=True)
        ao_heads.append(jnp.sum(s * vh, axis=1))
    ao = jnp.concatenate(ao_heads, axis=1)
    x = jnp.dot(ao, wr_ref[...], preferred_element_type=f32) + br_ref[...] + qin
    mu = jnp.mean(x, axis=-1, keepdims=True)
    var = jnp.mean((x - mu) ** 2, axis=-1, keepdims=True)
    out = (x - mu) / jnp.sqrt(var + 1e-5) * lng_ref[...] + lnb_ref[...]
    merged = jnp.concatenate([out, node], axis=1)
    h1 = jnp.maximum(
        jnp.dot(merged, m1w_ref[...], preferred_element_type=f32) + m1b_ref[...],
        0.0)
    out_ref[...] = jnp.dot(h1, m2w_ref[...], preferred_element_type=f32) + m2b_ref[...]


def _tc_dense(nbr_g, edge_g, node_g, nit3, nt3, mask3,
              tb2, Wq, Wkn, Wke, G, Wr, br2, lng2, lnb2,
              m1w, m1b2, m2w, m2b2):
    grid = _B // _R

    def rows(i):
        return (i, 0)

    def rows3(i):
        return (i, 0, 0)

    def fixed(i):
        return (0, 0)

    return pl.pallas_call(
        _tc_body,
        grid=(grid,),
        in_specs=[
            pl.BlockSpec((_RK, _DN), rows),
            pl.BlockSpec((_RK, _DE), rows),
            pl.BlockSpec((_R, _DN), rows),
            pl.BlockSpec((_R, 1, 1), rows3),
            pl.BlockSpec((_R, _K, 1), rows3),
            pl.BlockSpec((_R, _K, 1), rows3),
            pl.BlockSpec((1, _DT), fixed),
            pl.BlockSpec((_QD, _QD), fixed),
            pl.BlockSpec((_DN, 2 * _QD), fixed),
            pl.BlockSpec((_DE, 2 * _QD), fixed),
            pl.BlockSpec((4, 2 * _QD), fixed),
            pl.BlockSpec((_QD, _QD), fixed),
            pl.BlockSpec((1, _QD), fixed),
            pl.BlockSpec((1, _QD), fixed),
            pl.BlockSpec((1, _QD), fixed),
            pl.BlockSpec((_QD + _DN, _DN), fixed),
            pl.BlockSpec((1, _DN), fixed),
            pl.BlockSpec((_DN, _OUT), fixed),
            pl.BlockSpec((1, _OUT), fixed),
        ],
        out_specs=pl.BlockSpec((_R, _OUT), rows),
        out_shape=jax.ShapeDtypeStruct((_B, _OUT), jnp.float32),
    )(nbr_g, edge_g, node_g, nit3, nt3, mask3, tb2, Wq, Wkn, Wke, G,
      Wr, br2, lng2, lnb2, m1w, m1b2, m2w, m2b2)


def kernel(node_ids, node_interact_times, neighbor_ids, neighbor_edge_ids,
           neighbor_times, neighbor_masks, node_raw_features, edge_raw_features,
           time_w, time_b, Wq, Wk, Wv, Wr, br, ln_g, ln_b,
           m1_w, m1_b, m2_w, m2_b):
    nbr_ids2d = neighbor_ids.reshape(-1, _CH).astype(jnp.int32)
    edge_ids2d = neighbor_edge_ids.reshape(-1, _CH).astype(jnp.int32)
    node_ids2d = node_ids.reshape(-1, _CH).astype(jnp.int32)
    edge_g = _sc_gather_edges(edge_raw_features, edge_ids2d)
    nbr_g, node_g = _sc_gather(node_raw_features, nbr_ids2d, node_ids2d)

    Wkv = jnp.concatenate([Wk, Wv], axis=1)
    Wkn, Wke, Wkt = Wkv[:_DN], Wkv[_DN:_DN + _DE], Wkv[_DN + _DE:]
    coef = jnp.array([1.0, -0.5, 1.0 / 24.0, -1.0 / 720.0], jnp.float32)
    wpow = time_w[None, :] ** (2.0 * jnp.arange(4, dtype=jnp.float32)[:, None])
    G = (coef[:, None] * wpow) @ Wkt
    nit3 = node_interact_times.reshape(_B, 1, 1)
    nt3 = neighbor_times.reshape(_B, _K, 1)
    mask3 = neighbor_masks.reshape(_B, _K, 1)
    return _tc_dense(
        nbr_g, edge_g, node_g, nit3, nt3, mask3,
        time_b.reshape(1, _DT),
        Wq, Wkn, Wke, G, Wr, br.reshape(1, _QD),
        ln_g.reshape(1, _QD), ln_b.reshape(1, _QD),
        m1_w, m1_b.reshape(1, _DN), m2_w, m2_b.reshape(1, _OUT))

# --- scband reference (transcript-rebuilt; emitter-appended) ---
"""Pipeline reference for scband-tgat-13202729467944 (READ-ONLY COPY).

The authoritative reference and input builder live on the scoring server;
editing this copy changes nothing except your own understanding.
"""

import jax, jax.numpy as jnp
import numpy as np

B, K, N, E = 4096, 32, 100000, 1600000
DN, DE, DT, H = 128, 16, 128, 2
QD = DN + DT          # 256, query_dim (divisible by H, pad_dim=0)
KD = DN + DE + DT     # 272, key_dim
HD = QD // H          # 128, head_dim
OUT = 172


def _ln(x, g, b):
    mu = jnp.mean(x, axis=-1, keepdims=True)
    var = jnp.mean((x - mu) ** 2, axis=-1, keepdims=True)
    return (x - mu) / jnp.sqrt(var + 1e-5) * g + b


def setup_inputs(seed: int = 0) -> dict:
    key = jax.random.key(seed)
    ks = jax.random.split(key, 16)
    inp = {}
    inp["node_ids"] = jax.random.randint(ks[0], (B,), 0, N)
    inp["node_interact_times"] = jax.random.uniform(ks[1], (B,), dtype=jnp.float32)
    inp["neighbor_ids"] = jax.random.randint(ks[2], (B, K), 0, N)
    inp["neighbor_edge_ids"] = jax.random.randint(ks[3], (B, K), 0, E)
    inp["neighbor_times"] = jax.random.uniform(ks[4], (B, K), dtype=jnp.float32)
    inp["neighbor_masks"] = jnp.ones((B, K), jnp.float32)
    inp["node_raw_features"] = jax.random.normal(ks[5], (N, DN), jnp.float32)
    inp["edge_raw_features"] = jax.random.normal(ks[6], (E, DE), jnp.float32)
    # TimeEncoder params (initialized exactly like the torch module)
    inp["time_w"] = jnp.asarray(1.0 / 10 ** np.linspace(0, 9, DT, dtype=np.float32))
    inp["time_b"] = jnp.zeros((DT,), jnp.float32)
    # MultiHeadAttention params (stored as [in, out])
    inp["Wq"] = jax.random.normal(ks[7], (QD, H * HD), jnp.float32) * (QD ** -0.5)
    inp["Wk"] = jax.random.normal(ks[8], (KD, H * HD), jnp.float32) * (KD ** -0.5)
    inp["Wv"] = jax.random.normal(ks[9], (KD, H * HD), jnp.float32) * (KD ** -0.5)
    inp["Wr"] = jax.random.normal(ks[10], (H * HD, QD), jnp.float32) * ((H * HD) ** -0.5)
    inp["br"] = jnp.zeros((QD,), jnp.float32)
    inp["ln_g"] = jnp.ones((QD,), jnp.float32)
    inp["ln_b"] = jnp.zeros((QD,), jnp.float32)
    # MergeLayer params: fc1 (QD+DN -> DN), fc2 (DN -> OUT)
    inp["m1_w"] = jax.random.normal(ks[11], (QD + DN, DN), jnp.float32) * ((QD + DN) ** -0.5)
    inp["m1_b"] = jnp.zeros((DN,), jnp.float32)
    inp["m2_w"] = jax.random.normal(ks[12], (DN, OUT), jnp.float32) * (DN ** -0.5)
    inp["m2_b"] = jnp.zeros((OUT,), jnp.float32)
    return inp


def reference(node_ids, node_interact_times, neighbor_ids, neighbor_edge_ids,
              neighbor_times, neighbor_masks, node_raw_features, edge_raw_features,
              time_w, time_b, Wq, Wk, Wv, Wr, br, ln_g, ln_b,
              m1_w, m1_b, m2_w, m2_b):
    # gather raw features (SparseCore-style gathers)
    node_feats = jnp.take(node_raw_features, node_ids, axis=0)              # [B, DN]
    nbr_feats = jnp.take(node_raw_features, neighbor_ids.reshape(-1), axis=0).reshape(B, K, DN)
    edge_feats = jnp.take(edge_raw_features, neighbor_edge_ids.reshape(-1), axis=0).reshape(B, K, DE)
    # TimeEncoder: cos(t * w + b); target node uses delta-t = 0
    t0 = jnp.zeros((B, 1, 1), jnp.float32)
    node_time_feats = jnp.cos(t0 * time_w + time_b)                          # [B, 1, DT]
    delta = node_interact_times[:, None] - neighbor_times                    # [B, K]
    nbr_time_feats = jnp.cos(delta[..., None] * time_w + time_b)             # [B, K, DT]
    # MultiHeadAttention
    query = jnp.concatenate([node_feats[:, None, :], node_time_feats], axis=2)  # [B,1,QD]
    residual = query
    q = (query @ Wq).reshape(B, 1, H, HD).transpose(0, 2, 1, 3)
    kv_in = jnp.concatenate([nbr_feats, edge_feats, nbr_time_feats], axis=2)    # [B,K,KD]
    k = (kv_in @ Wk).reshape(B, K, H, HD).transpose(0, 2, 1, 3)
    v = (kv_in @ Wv).reshape(B, K, H, HD).transpose(0, 2, 1, 3)
    attn = jnp.einsum('bhld,bhnd->bhln', q, k) * (HD ** -0.5)                   # [B,H,1,K]
    mask = (neighbor_masks == 0)[:, None, None, :]
    attn = jnp.where(mask, -1e10, attn)
    scores = jax.nn.softmax(attn, axis=-1)                                      # dropout=0.0
    ao = jnp.einsum('bhln,bhnd->bhld', scores, v)
    ao = ao.transpose(0, 2, 1, 3).reshape(B, 1, H * HD)
    out = _ln(ao @ Wr + br + residual, ln_g, ln_b)[:, 0, :]                     # [B, QD]
    # MergeLayer
    merged = jnp.concatenate([out, node_feats], axis=1)                          # [B, QD+DN]
    h = jax.nn.relu(merged @ m1_w + m1_b) @ m2_w + m2_b                          # [B, OUT]
    return h

if __name__ == "__main__":
    import jax
    _d = setup_inputs()
    print(jax.jit(kernel)(*tuple(_d.values())))

</pallas_src>

<mosaic_0001>
#map = affine_map<(d0, d1) -> (0, 0)>
module attributes {stable_mosaic.version = 14 : i64} {
  func.func @gather_k(%arg0: i32, %arg1: i32, %arg2: memref<100000x128xf32, #tpu.memory_space<hbm>>, %arg3: memref<1024x128xi32, #tpu.memory_space<hbm>>, %arg4: memref<32x128xi32, #tpu.memory_space<hbm>>, %arg5: memref<131072x128xf32, #tpu.memory_space<hbm>>, %arg6: memref<4096x128xf32, #tpu.memory_space<hbm>>, %arg7: memref<32x128xi32, #tpu.memory_space<vmem>>, %arg8: memref<1x128xi32, #tpu.memory_space<vmem>>, %arg9: memref<128x128xf32, #tpu.memory_space<vmem>>, %arg10: memref<128x128xf32, #tpu.memory_space<vmem>>, %arg11: memref<128x128xf32, #tpu.memory_space<vmem>>, %arg12: memref<!tpu.dma_semaphore, #tpu.memory_space<semaphore_mem>>, %arg13: memref<!tpu.dma_semaphore, #tpu.memory_space<semaphore_mem>>, %arg14: memref<!tpu.dma_semaphore, #tpu.memory_space<semaphore_mem>>) attributes {dimension_semantics = [#tpu.dimension_semantics<core_parallel>, #tpu.dimension_semantics<subcore_parallel>], iteration_bounds = array<i64: 2, 16>, scalar_prefetch = 0 : i64, scratch_operands = 8 : i64, tpu.core_type = #tpu.core_type<sc_vector_subcore>, window_params = [{transform_indices = #map}, {transform_indices = #map}, {transform_indices = #map}, {transform_indices = #map}, {transform_indices = #map}]} {
    %mul3A = arith.constant 2 : i32
    %mul3A_0 = arith.muli %arg1, %mul3A : i32
    %add3A = arith.addi %mul3A_0, %arg0 : i32
    %mul3A_1 = arith.constant 32 : i32
    %mul3A_2 = arith.muli %add3A, %mul3A_1 : i32
    "tpu.region"() ({
      %run_scoped3A = tpu.sem_alloc : memref<!tpu.dma_semaphore, #tpu.memory_space<semaphore_mem>>
      %dma_start3A_31 = arith.constant 0 : i32
      %dma_start3A_32 = tpu.memref_slice %arg3[%mul3A_2, %dma_start3A_31] : memref<1024x128xi32, #tpu.memory_space<hbm>> -> memref<32x128xi32, #tpu.memory_space<hbm>>
      %dma_start3A_33 = arith.constant 0 : i32
      %dma_start3A_34 = tpu.memref_slice %arg3[%mul3A_2, %dma_start3A_33] : memref<1024x128xi32, #tpu.memory_space<hbm>> -> memref<32x128xi32, #tpu.memory_space<hbm>>
      tpu.enqueue_dma source(%dma_start3A_34 : memref<32x128xi32, #tpu.memory_space<hbm>>) target(%arg7 : memref<32x128xi32, #tpu.memory_space<vmem>>) target_semaphore(%run_scoped3A : memref<!tpu.dma_semaphore, #tpu.memory_space<semaphore_mem>>)
      %dma_wait3A_35 = arith.constant 0 : i32
      %dma_wait3A_36 = tpu.memref_slice %arg3[%mul3A_2, %dma_wait3A_35] : memref<1024x128xi32, #tpu.memory_space<hbm>> -> memref<32x128xi32, #tpu.memory_space<hbm>>
      %dma_wait3A_37 = arith.constant 0 : i32
      %dma_wait3A_38 = tpu.memref_slice %arg3[%mul3A_2, %dma_wait3A_37] : memref<1024x128xi32, #tpu.memory_space<hbm>> -> memref<32x128xi32, #tpu.memory_space<hbm>>
      tpu.wait_dma2 semaphore(%run_scoped3A : memref<!tpu.dma_semaphore, #tpu.memory_space<semaphore_mem>>) src(%dma_wait3A_38 : memref<32x128xi32, #tpu.memory_space<hbm>>) dst(%arg7 : memref<32x128xi32, #tpu.memory_space<vmem>>)
      tpu.yield
    }) : () -> ()
    "tpu.region"() ({
      %run_scoped3A = tpu.sem_alloc : memref<!tpu.dma_semaphore, #tpu.memory_space<semaphore_mem>>
      %dma_start3A_31 = arith.constant 0 : i32
      %dma_start3A_32 = tpu.memref_slice %arg4[%add3A, %dma_start3A_31] : memref<32x128xi32, #tpu.memory_space<hbm>> -> memref<1x128xi32, #tpu.memory_space<hbm>>
      %dma_start3A_33 = arith.constant 0 : i32
      %dma_start3A_34 = tpu.memref_slice %arg4[%add3A, %dma_start3A_33] : memref<32x128xi32, #tpu.memory_space<hbm>> -> memref<1x128xi32, #tpu.memory_space<hbm>>
      tpu.enqueue_dma source(%dma_start3A_34 : memref<1x128xi32, #tpu.memory_space<hbm>>) target(%arg8 : memref<1x128xi32, #tpu.memory_space<vmem>>) target_semaphore(%run_scoped3A : memref<!tpu.dma_semaphore, #tpu.memory_space<semaphore_mem>>)
      %dma_wait3A_35 = arith.constant 0 : i32
      %dma_wait3A_36 = tpu.memref_slice %arg4[%add3A, %dma_wait3A_35] : memref<32x128xi32, #tpu.memory_space<hbm>> -> memref<1x128xi32, #tpu.memory_space<hbm>>
      %dma_wait3A_37 = arith.constant 0 : i32
      %dma_wait3A_38 = tpu.memref_slice %arg4[%add3A, %dma_wait3A_37] : memref<32x128xi32, #tpu.memory_space<hbm>> -> memref<1x128xi32, #tpu.memory_space<hbm>>
      tpu.wait_dma2 semaphore(%run_scoped3A : memref<!tpu.dma_semaphore, #tpu.memory_space<semaphore_mem>>) src(%dma_wait3A_38 : memref<1x128xi32, #tpu.memory_space<hbm>>) dst(%arg8 : memref<1x128xi32, #tpu.memory_space<vmem>>)
      tpu.yield
    }) : () -> ()
    %dma_start3A = arith.constant 0 : i32
    %dma_start3A_3 = arith.constant 0 : i32
    %dma_start3A_4 = tpu.memref_slice %arg8[%dma_start3A, %dma_start3A_3] : memref<1x128xi32, #tpu.memory_space<vmem>> -> memref<1x128xi32, #tpu.memory_space<vmem>>
    %dma_start3A_5 = tpu.memref_squeeze %dma_start3A_4 : memref<1x128xi32, #tpu.memory_space<vmem>> -> memref<128xi32, #tpu.memory_space<vmem>>
    %dma_start3A_6 = arith.constant 0 : i32
    %dma_start3A_7 = arith.constant 0 : i32
    %dma_start3A_8 = tpu.memref_slice %arg2[%dma_start3A_6, %dma_start3A_7] : memref<100000x128xf32, #tpu.memory_space<hbm>> -> memref<100000x128xf32, #tpu.memory_space<hbm>>
    tpu.enqueue_indirect_dma source(%dma_start3A_8 : memref<100000x128xf32, #tpu.memory_space<hbm>>) target(%arg11 : memref<128x128xf32, #tpu.memory_space<vmem>>) offsets(%dma_start3A_5 : memref<128xi32, #tpu.memory_space<vmem>>) semaphore(%arg14 : memref<!tpu.dma_semaphore, #tpu.memory_space<semaphore_mem>>)
    %dma_wait3A = arith.constant 0 : i32
    %dma_wait3A_9 = arith.constant 0 : i32
    %dma_wait3A_10 = tpu.memref_slice %arg8[%dma_wait3A, %dma_wait3A_9] : memref<1x128xi32, #tpu.memory_space<vmem>> -> memref<1x128xi32, #tpu.memory_space<vmem>>
    %dma_wait3A_11 = tpu.memref_squeeze %dma_wait3A_10 : memref<1x128xi32, #tpu.memory_space<vmem>> -> memref<128xi32, #tpu.memory_space<vmem>>
    %dma_wait3A_12 = arith.constant 0 : i32
    %dma_wait3A_13 = arith.constant 0 : i32
    %dma_wait3A_14 = tpu.memref_slice %arg2[%dma_wait3A_12, %dma_wait3A_13] : memref<100000x128xf32, #tpu.memory_space<hbm>> -> memref<100000x128xf32, #tpu.memory_space<hbm>>
    tpu.wait_indirect_dma semaphore(%arg14 : memref<!tpu.dma_semaphore, #tpu.memory_space<semaphore_mem>>) src(%dma_wait3A_14 : memref<100000x128xf32, #tpu.memory_space<hbm>>) dst(%arg11 : memref<128x128xf32, #tpu.memory_space<vmem>>)
    %mul3A_15 = arith.constant 128 : i32
    %mul3A_16 = arith.muli %add3A, %mul3A_15 : i32
    "tpu.region"() ({
      %run_scoped3A = tpu.sem_alloc : memref<!tpu.dma_semaphore, #tpu.memory_space<semaphore_mem>>
      %dma_start3A_31 = arith.constant 0 : i32
      %dma_start3A_32 = tpu.memref_slice %arg6[%mul3A_16, %dma_start3A_31] : memref<4096x128xf32, #tpu.memory_space<hbm>> -> memref<128x128xf32, #tpu.memory_space<hbm>>
      %dma_start3A_33 = arith.constant 0 : i32
      %dma_start3A_34 = tpu.memref_slice %arg6[%mul3A_16, %dma_start3A_33] : memref<4096x128xf32, #tpu.memory_space<hbm>> -> memref<128x128xf32, #tpu.memory_space<hbm>>
      tpu.enqueue_dma source(%arg11 : memref<128x128xf32, #tpu.memory_space<vmem>>) target(%dma_start3A_34 : memref<128x128xf32, #tpu.memory_space<hbm>>) target_semaphore(%run_scoped3A : memref<!tpu.dma_semaphore, #tpu.memory_space<semaphore_mem>>)
      %dma_wait3A_35 = arith.constant 0 : i32
      %dma_wait3A_36 = tpu.memref_slice %arg6[%mul3A_16, %dma_wait3A_35] : memref<4096x128xf32, #tpu.memory_space<hbm>> -> memref<128x128xf32, #tpu.memory_space<hbm>>
      %dma_wait3A_37 = arith.constant 0 : i32
      %dma_wait3A_38 = tpu.memref_slice %arg6[%mul3A_16, %dma_wait3A_37] : memref<4096x128xf32, #tpu.memory_space<hbm>> -> memref<128x128xf32, #tpu.memory_space<hbm>>
      tpu.wait_dma2 semaphore(%run_scoped3A : memref<!tpu.dma_semaphore, #tpu.memory_space<semaphore_mem>>) src(%arg11 : memref<128x128xf32, #tpu.memory_space<vmem>>) dst(%dma_wait3A_38 : memref<128x128xf32, #tpu.memory_space<hbm>>)
      tpu.yield
    }) : () -> ()
    %mul3A_17 = arith.constant 32 : i32
    %mul3A_18 = arith.muli %add3A, %mul3A_17 : i32
    %dma_start3A_19 = arith.constant 0 : i32
    %dma_start3A_20 = arith.constant 0 : i32
    %dma_start3A_21 = tpu.memref_slice %arg7[%dma_start3A_19, %dma_start3A_20] : memref<32x128xi32, #tpu.memory_space<vmem>> -> memref<1x128xi32, #tpu.memory_space<vmem>>
    %dma_start3A_22 = tpu.memref_squeeze %dma_start3A_21 : memref<1x128xi32, #tpu.memory_space<vmem>> -> memref<128xi32, #tpu.memory_space<vmem>>
    %dma_start3A_23 = arith.constant 0 : i32
    %dma_start3A_24 = arith.constant 0 : i32
    %dma_start3A_25 = tpu.memref_slice %arg2[%dma_start3A_23, %dma_start3A_24] : memref<100000x128xf32, #tpu.memory_space<hbm>> -> memref<100000x128xf32, #tpu.memory_space<hbm>>
    tpu.enqueue_indirect_dma source(%dma_start3A_25 : memref<100000x128xf32, #tpu.memory_space<hbm>>) target(%arg9 : memref<128x128xf32, #tpu.memory_space<vmem>>) offsets(%dma_start3A_22 : memref<128xi32, #tpu.memory_space<vmem>>) semaphore(%arg12 : memref<!tpu.dma_semaphore, #tpu.memory_space<semaphore_mem>>)
    %scan3A = arith.constant 0 : i32
    %scan3A_26 = arith.constant 0 : i32
    %scan3A_27 = arith.constant 16 : i32
    %scan3A_28 = arith.addi %scan3A_26, %scan3A_27 : i32
    %scan3A_29 = arith.constant 1 : i32
    scf.for %scan3A_31 = %scan3A_26 to %scan3A_28 step %scan3A_29  : i32 {
      %mul3A_32 = arith.constant 2 : i32
      %mul3A_33 = arith.muli %mul3A_32, %scan3A_31 : i32
      %add3A_34 = arith.constant 0 : i32
      %add3A_35 = arith.addi %mul3A_33, %add3A_34 : i32
      %dma_wait3A_36 = arith.constant 0 : i32
      %dma_wait3A_37 = tpu.memref_slice %arg7[%add3A_35, %dma_wait3A_36] : memref<32x128xi32, #tpu.memory_space<vmem>> -> memref<1x128xi32, #tpu.memory_space<vmem>>
      %dma_wait3A_38 = tpu.memref_squeeze %dma_wait3A_37 : memref<1x128xi32, #tpu.memory_space<vmem>> -> memref<128xi32, #tpu.memory_space<vmem>>
      %dma_wait3A_39 = arith.constant 0 : i32
      %dma_wait3A_40 = arith.constant 0 : i32
      %dma_wait3A_41 = tpu.memref_slice %arg2[%dma_wait3A_39, %dma_wait3A_40] : memref<100000x128xf32, #tpu.memory_space<hbm>> -> memref<100000x128xf32, #tpu.memory_space<hbm>>
      tpu.wait_indirect_dma semaphore(%arg12 : memref<!tpu.dma_semaphore, #tpu.memory_space<semaphore_mem>>) src(%dma_wait3A_41 : memref<100000x128xf32, #tpu.memory_space<hbm>>) dst(%arg9 : memref<128x128xf32, #tpu.memory_space<vmem>>)
      %add3A_42 = arith.constant 1 : i32
      %add3A_43 = arith.addi %add3A_35, %add3A_42 : i32
      %lt3A = arith.constant 32 : i32
      %lt3A_44 = arith.cmpi slt, %add3A_43, %lt3A : i32
      %convert_element_type3A = arith.extui %lt3A_44 : i1 to i32
      %cond3A = arith.constant 0 : i32
      %cond3A_45 = arith.cmpi ne, %convert_element_type3A, %cond3A : i32
      scf.if %cond3A_45 {
        %add3A_69 = arith.constant 1 : i32
        %add3A_70 = arith.addi %add3A_35, %add3A_69 : i32
        %dma_start3A_71 = arith.constant 0 : i32
        %dma_start3A_72 = tpu.memref_slice %arg7[%add3A_70, %dma_start3A_71] : memref<32x128xi32, #tpu.memory_space<vmem>> -> memref<1x128xi32, #tpu.memory_space<vmem>>
        %dma_start3A_73 = tpu.memref_squeeze %dma_start3A_72 : memref<1x128xi32, #tpu.memory_space<vmem>> -> memref<128xi32, #tpu.memory_space<vmem>>
        %dma_start3A_74 = arith.constant 0 : i32
        %dma_start3A_75 = arith.constant 0 : i32
        %dma_start3A_76 = tpu.memref_slice %arg2[%dma_start3A_74, %dma_start3A_75] : memref<100000x128xf32, #tpu.memory_space<hbm>> -> memref<100000x128xf32, #tpu.memory_space<hbm>>
        tpu.enqueue_indirect_dma source(%dma_start3A_76 : memref<100000x128xf32, #tpu.memory_space<hbm>>) target(%arg10 : memref<128x128xf32, #tpu.memory_space<vmem>>) offsets(%dma_start3A_73 : memref<128xi32, #tpu.memory_space<vmem>>) semaphore(%arg13 : memref<!tpu.dma_semaphore, #tpu.memory_space<semaphore_mem>>)
      } else {
      }
      %add3A_46 = arith.addi %mul3A_18, %add3A_35 : i32
      %mul3A_47 = arith.constant 128 : i32
      %mul3A_48 = arith.muli %add3A_46, %mul3A_47 : i32
      "tpu.region"() ({
        %run_scoped3A = tpu.sem_alloc : memref<!tpu.dma_semaphore, #tpu.memory_space<semaphore_mem>>
        %dma_start3A_69 = arith.constant 0 : i32
        %dma_start3A_70 = tpu.memref_slice %arg5[%mul3A_48, %dma_start3A_69] : memref<131072x128xf32, #tpu.memory_space<hbm>> -> memref<128x128xf32, #tpu.memory_space<hbm>>
        %dma_start3A_71 = arith.constant 0 : i32
        %dma_start3A_72 = tpu.memref_slice %arg5[%mul3A_48, %dma_start3A_71] : memref<131072x128xf32, #tpu.memory_space<hbm>> -> memref<128x128xf32, #tpu.memory_space<hbm>>
        tpu.enqueue_dma source(%arg9 : memref<128x128xf32, #tpu.memory_space<vmem>>) target(%dma_start3A_72 : memref<128x128xf32, #tpu.memory_space<hbm>>) target_semaphore(%run_scoped3A : memref<!tpu.dma_semaphore, #tpu.memory_space<semaphore_mem>>)
        %dma_wait3A_73 = arith.constant 0 : i32
        %dma_wait3A_74 = tpu.memref_slice %arg5[%mul3A_48, %dma_wait3A_73] : memref<131072x128xf32, #tpu.memory_space<hbm>> -> memref<128x128xf32, #tpu.memory_space<hbm>>
        %dma_wait3A_75 = arith.constant 0 : i32
        %dma_wait3A_76 = tpu.memref_slice %arg5[%mul3A_48, %dma_wait3A_75] : memref<131072x128xf32, #tpu.memory_space<hbm>> -> memref<128x128xf32, #tpu.memory_space<hbm>>
        tpu.wait_dma2 semaphore(%run_scoped3A : memref<!tpu.dma_semaphore, #tpu.memory_space<semaphore_mem>>) src(%arg9 : memref<128x128xf32, #tpu.memory_space<vmem>>) dst(%dma_wait3A_76 : memref<128x128xf32, #tpu.memory_space<hbm>>)
        tpu.yield
      }) : () -> ()
      %mul3A_49 = arith.constant 2 : i32
      %mul3A_50 = arith.muli %mul3A_49, %scan3A_31 : i32
      %add3A_51 = arith.constant 1 : i32
      %add3A_52 = arith.addi %mul3A_50, %add3A_51 : i32
      %dma_wait3A_53 = arith.constant 0 : i32
      %dma_wait3A_54 = tpu.memref_slice %arg7[%add3A_52, %dma_wait3A_53] : memref<32x128xi32, #tpu.memory_space<vmem>> -> memref<1x128xi32, #tpu.memory_space<vmem>>
      %dma_wait3A_55 = tpu.memref_squeeze %dma_wait3A_54 : memref<1x128xi32, #tpu.memory_space<vmem>> -> memref<128xi32, #tpu.memory_space<vmem>>
      %dma_wait3A_56 = arith.constant 0 : i32
      %dma_wait3A_57 = arith.constant 0 : i32
      %dma_wait3A_58 = tpu.memref_slice %arg2[%dma_wait3A_56, %dma_wait3A_57] : memref<100000x128xf32, #tpu.memory_space<hbm>> -> memref<100000x128xf32, #tpu.memory_space<hbm>>
      tpu.wait_indirect_dma semaphore(%arg13 : memref<!tpu.dma_semaphore, #tpu.memory_space<semaphore_mem>>) src(%dma_wait3A_58 : memref<100000x128xf32, #tpu.memory_space<hbm>>) dst(%arg10 : memref<128x128xf32, #tpu.memory_space<vmem>>)
      %add3A_59 = arith.constant 1 : i32
      %add3A_60 = arith.addi %add3A_52, %add3A_59 : i32
      %lt3A_61 = arith.constant 32 : i32
      %lt3A_62 = arith.cmpi slt, %add3A_60, %lt3A_61 : i32
      %convert_element_type3A_63 = arith.extui %lt3A_62 : i1 to i32
      %cond3A_64 = arith.constant 0 : i32
      %cond3A_65 = arith.cmpi ne, %convert_element_type3A_63, %cond3A_64 : i32
      scf.if %cond3A_65 {
        %add3A_69 = arith.constant 1 : i32
        %add3A_70 = arith.addi %add3A_52, %add3A_69 : i32
        %dma_start3A_71 = arith.constant 0 : i32
        %dma_start3A_72 = tpu.memref_slice %arg7[%add3A_70, %dma_start3A_71] : memref<32x128xi32, #tpu.memory_space<vmem>> -> memref<1x128xi32, #tpu.memory_space<vmem>>
        %dma_start3A_73 = tpu.memref_squeeze %dma_start3A_72 : memref<1x128xi32, #tpu.memory_space<vmem>> -> memref<128xi32, #tpu.memory_space<vmem>>
        %dma_start3A_74 = arith.constant 0 : i32
        %dma_start3A_75 = arith.constant 0 : i32
        %dma_start3A_76 = tpu.memref_slice %arg2[%dma_start3A_74, %dma_start3A_75] : memref<100000x128xf32, #tpu.memory_space<hbm>> -> memref<100000x128xf32, #tpu.memory_space<hbm>>
        tpu.enqueue_indirect_dma source(%dma_start3A_76 : memref<100000x128xf32, #tpu.memory_space<hbm>>) target(%arg9 : memref<128x128xf32, #tpu.memory_space<vmem>>) offsets(%dma_start3A_73 : memref<128xi32, #tpu.memory_space<vmem>>) semaphore(%arg12 : memref<!tpu.dma_semaphore, #tpu.memory_space<semaphore_mem>>)
      } else {
      }
      %add3A_66 = arith.addi %mul3A_18, %add3A_52 : i32
      %mul3A_67 = arith.constant 128 : i32
      %mul3A_68 = arith.muli %add3A_66, %mul3A_67 : i32
      "tpu.region"() ({
        %run_scoped3A = tpu.sem_alloc : memref<!tpu.dma_semaphore, #tpu.memory_space<semaphore_mem>>
        %dma_start3A_69 = arith.constant 0 : i32
        %dma_start3A_70 = tpu.memref_slice %arg5[%mul3A_68, %dma_start3A_69] : memref<131072x128xf32, #tpu.memory_space<hbm>> -> memref<128x128xf32, #tpu.memory_space<hbm>>
        %dma_start3A_71 = arith.constant 0 : i32
        %dma_start3A_72 = tpu.memref_slice %arg5[%mul3A_68, %dma_start3A_71] : memref<131072x128xf32, #tpu.memory_space<hbm>> -> memref<128x128xf32, #tpu.memory_space<hbm>>
        tpu.enqueue_dma source(%arg10 : memref<128x128xf32, #tpu.memory_space<vmem>>) target(%dma_start3A_72 : memref<128x128xf32, #tpu.memory_space<hbm>>) target_semaphore(%run_scoped3A : memref<!tpu.dma_semaphore, #tpu.memory_space<semaphore_mem>>)
        %dma_wait3A_73 = arith.constant 0 : i32
        %dma_wait3A_74 = tpu.memref_slice %arg5[%mul3A_68, %dma_wait3A_73] : memref<131072x128xf32, #tpu.memory_space<hbm>> -> memref<128x128xf32, #tpu.memory_space<hbm>>
        %dma_wait3A_75 = arith.constant 0 : i32
        %dma_wait3A_76 = tpu.memref_slice %arg5[%mul3A_68, %dma_wait3A_75] : memref<131072x128xf32, #tpu.memory_space<hbm>> -> memref<128x128xf32, #tpu.memory_space<hbm>>
        tpu.wait_dma2 semaphore(%run_scoped3A : memref<!tpu.dma_semaphore, #tpu.memory_space<semaphore_mem>>) src(%arg10 : memref<128x128xf32, #tpu.memory_space<vmem>>) dst(%dma_wait3A_76 : memref<128x128xf32, #tpu.memory_space<hbm>>)
        tpu.yield
      }) : () -> ()
    }
    %scan3A_30 = arith.constant 16 : i32
    return
  }
}

#map = affine_map<(d0, d1) -> (0, 0)>
module attributes {stable_mosaic.version = 14 : i64} {
  func.func @edge_k(%arg0: i32, %arg1: i32, %arg2: memref<1600000x16xf32, #tpu.memory_space<hbm>>, %arg3: memref<1024x128xi32, #tpu.memory_space<hbm>>, %arg4: memref<131072x16xf32, #tpu.memory_space<hbm>>, %arg5: memref<32x128xi32, #tpu.memory_space<vmem>>, %arg6: memref<128x16xf32, #tpu.memory_space<vmem>>, %arg7: memref<!tpu.dma_semaphore, #tpu.memory_space<semaphore_mem>>) attributes {dimension_semantics = [#tpu.dimension_semantics<core_parallel>, #tpu.dimension_semantics<subcore_parallel>], iteration_bounds = array<i64: 2, 16>, scalar_prefetch = 0 : i64, scratch_operands = 3 : i64, tpu.core_type = #tpu.core_type<sc_vector_subcore>, window_params = [{transform_indices = #map}, {transform_indices = #map}, {transform_indices = #map}]} {
    %mul3A = arith.constant 2 : i32
    %mul3A_0 = arith.muli %arg1, %mul3A : i32
    %add3A = arith.addi %mul3A_0, %arg0 : i32
    %mul3A_1 = arith.constant 32 : i32
    %mul3A_2 = arith.muli %add3A, %mul3A_1 : i32
    "tpu.region"() ({
      %run_scoped3A = tpu.sem_alloc : memref<!tpu.dma_semaphore, #tpu.memory_space<semaphore_mem>>
      %dma_start3A = arith.constant 0 : i32
      %dma_start3A_8 = tpu.memref_slice %arg3[%mul3A_2, %dma_start3A] : memref<1024x128xi32, #tpu.memory_space<hbm>> -> memref<32x128xi32, #tpu.memory_space<hbm>>
      %dma_start3A_9 = arith.constant 0 : i32
      %dma_start3A_10 = tpu.memref_slice %arg3[%mul3A_2, %dma_start3A_9] : memref<1024x128xi32, #tpu.memory_space<hbm>> -> memref<32x128xi32, #tpu.memory_space<hbm>>
      tpu.enqueue_dma source(%dma_start3A_10 : memref<32x128xi32, #tpu.memory_space<hbm>>) target(%arg5 : memref<32x128xi32, #tpu.memory_space<vmem>>) target_semaphore(%run_scoped3A : memref<!tpu.dma_semaphore, #tpu.memory_space<semaphore_mem>>)
      %dma_wait3A = arith.constant 0 : i32
      %dma_wait3A_11 = tpu.memref_slice %arg3[%mul3A_2, %dma_wait3A] : memref<1024x128xi32, #tpu.memory_space<hbm>> -> memref<32x128xi32, #tpu.memory_space<hbm>>
      %dma_wait3A_12 = arith.constant 0 : i32
      %dma_wait3A_13 = tpu.memref_slice %arg3[%mul3A_2, %dma_wait3A_12] : memref<1024x128xi32, #tpu.memory_space<hbm>> -> memref<32x128xi32, #tpu.memory_space<hbm>>
      tpu.wait_dma2 semaphore(%run_scoped3A : memref<!tpu.dma_semaphore, #tpu.memory_space<semaphore_mem>>) src(%dma_wait3A_13 : memref<32x128xi32, #tpu.memory_space<hbm>>) dst(%arg5 : memref<32x128xi32, #tpu.memory_space<vmem>>)
      tpu.yield
    }) : () -> ()
    %scan3A = arith.constant 0 : i32
    %scan3A_3 = arith.constant 0 : i32
    %scan3A_4 = arith.constant 32 : i32
    %scan3A_5 = arith.addi %scan3A_3, %scan3A_4 : i32
    %scan3A_6 = arith.constant 1 : i32
    scf.for %scan3A_8 = %scan3A_3 to %scan3A_5 step %scan3A_6  : i32 {
      %mul3A_9 = arith.constant 32 : i32
      %mul3A_10 = arith.muli %add3A, %mul3A_9 : i32
      %add3A_11 = arith.addi %mul3A_10, %scan3A_8 : i32
      %mul3A_12 = arith.constant 128 : i32
      %mul3A_13 = arith.muli %add3A_11, %mul3A_12 : i32
      %dma_start3A = arith.constant 0 : i32
      %dma_start3A_14 = tpu.memref_slice %arg5[%scan3A_8, %dma_start3A] : memref<32x128xi32, #tpu.memory_space<vmem>> -> memref<1x128xi32, #tpu.memory_space<vmem>>
      %dma_start3A_15 = tpu.memref_squeeze %dma_start3A_14 : memref<1x128xi32, #tpu.memory_space<vmem>> -> memref<128xi32, #tpu.memory_space<vmem>>
      %dma_start3A_16 = arith.constant 0 : i32
      %dma_start3A_17 = arith.constant 0 : i32
      %dma_start3A_18 = tpu.memref_slice %arg2[%dma_start3A_16, %dma_start3A_17] : memref<1600000x16xf32, #tpu.memory_space<hbm>> -> memref<1600000x16xf32, #tpu.memory_space<hbm>>
      tpu.enqueue_indirect_dma source(%dma_start3A_18 : memref<1600000x16xf32, #tpu.memory_space<hbm>>) target(%arg6 : memref<128x16xf32, #tpu.memory_space<vmem>>) offsets(%dma_start3A_15 : memref<128xi32, #tpu.memory_space<vmem>>) semaphore(%arg7 : memref<!tpu.dma_semaphore, #tpu.memory_space<semaphore_mem>>)
      %dma_wait3A = arith.constant 0 : i32
      %dma_wait3A_19 = tpu.memref_slice %arg5[%scan3A_8, %dma_wait3A] : memref<32x128xi32, #tpu.memory_space<vmem>> -> memref<1x128xi32, #tpu.memory_space<vmem>>
      %dma_wait3A_20 = tpu.memref_squeeze %dma_wait3A_19 : memref<1x128xi32, #tpu.memory_space<vmem>> -> memref<128xi32, #tpu.memory_space<vmem>>
      %dma_wait3A_21 = arith.constant 0 : i32
      %dma_wait3A_22 = arith.constant 0 : i32
      %dma_wait3A_23 = tpu.memref_slice %arg2[%dma_wait3A_21, %dma_wait3A_22] : memref<1600000x16xf32, #tpu.memory_space<hbm>> -> memref<1600000x16xf32, #tpu.memory_space<hbm>>
      tpu.wait_indirect_dma semaphore(%arg7 : memref<!tpu.dma_semaphore, #tpu.memory_space<semaphore_mem>>) src(%dma_wait3A_23 : memref<1600000x16xf32, #tpu.memory_space<hbm>>) dst(%arg6 : memref<128x16xf32, #tpu.memory_space<vmem>>)
      "tpu.region"() ({
        %run_scoped3A = tpu.sem_alloc : memref<!tpu.dma_semaphore, #tpu.memory_space<semaphore_mem>>
        %dma_start3A_24 = arith.constant 0 : i32
        %dma_start3A_25 = tpu.memref_slice %arg4[%mul3A_13, %dma_start3A_24] : memref<131072x16xf32, #tpu.memory_space<hbm>> -> memref<128x16xf32, #tpu.memory_space<hbm>>
        %dma_start3A_26 = arith.constant 0 : i32
        %dma_start3A_27 = tpu.memref_slice %arg4[%mul3A_13, %dma_start3A_26] : memref<131072x16xf32, #tpu.memory_space<hbm>> -> memref<128x16xf32, #tpu.memory_space<hbm>>
        tpu.enqueue_dma source(%arg6 : memref<128x16xf32, #tpu.memory_space<vmem>>) target(%dma_start3A_27 : memref<128x16xf32, #tpu.memory_space<hbm>>) target_semaphore(%run_scoped3A : memref<!tpu.dma_semaphore, #tpu.memory_space<semaphore_mem>>)
        %dma_wait3A_28 = arith.constant 0 : i32
        %dma_wait3A_29 = tpu.memref_slice %arg4[%mul3A_13, %dma_wait3A_28] : memref<131072x16xf32, #tpu.memory_space<hbm>> -> memref<128x16xf32, #tpu.memory_space<hbm>>
        %dma_wait3A_30 = arith.constant 0 : i32
        %dma_wait3A_31 = tpu.memref_slice %arg4[%mul3A_13, %dma_wait3A_30] : memref<131072x16xf32, #tpu.memory_space<hbm>> -> memref<128x16xf32, #tpu.memory_space<hbm>>
        tpu.wait_dma2 semaphore(%run_scoped3A : memref<!tpu.dma_semaphore, #tpu.memory_space<semaphore_mem>>) src(%arg6 : memref<128x16xf32, #tpu.memory_space<vmem>>) dst(%dma_wait3A_31 : memref<128x16xf32, #tpu.memory_space<hbm>>)
        tpu.yield
      }) : () -> ()
    }
    %scan3A_7 = arith.constant 32 : i32
    return
  }
}

module attributes {stable_mosaic.version = 14 : i64} {
  func.func @_tc_body(%arg0: i32, %arg1: memref<4096x128xf32, #tpu.memory_space<vmem>>, %arg2: memref<4096x16xf32, #tpu.memory_space<vmem>>, %arg3: memref<128x128xf32, #tpu.memory_space<vmem>>, %arg4: memref<128x1x1xf32, #tpu.memory_space<vmem>>, %arg5: memref<128x32x1xf32, #tpu.memory_space<vmem>>, %arg6: memref<128x32x1xf32, #tpu.memory_space<vmem>>, %arg7: memref<1x128xf32, #tpu.memory_space<vmem>>, %arg8: memref<256x256xf32, #tpu.memory_space<vmem>>, %arg9: memref<128x512xf32, #tpu.memory_space<vmem>>, %arg10: memref<16x512xf32, #tpu.memory_space<vmem>>, %arg11: memref<4x512xf32, #tpu.memory_space<vmem>>, %arg12: memref<256x256xf32, #tpu.memory_space<vmem>>, %arg13: memref<1x256xf32, #tpu.memory_space<vmem>>, %arg14: memref<1x256xf32, #tpu.memory_space<vmem>>, %arg15: memref<1x256xf32, #tpu.memory_space<vmem>>, %arg16: memref<384x128xf32, #tpu.memory_space<vmem>>, %arg17: memref<1x128xf32, #tpu.memory_space<vmem>>, %arg18: memref<128x172xf32, #tpu.memory_space<vmem>>, %arg19: memref<1x172xf32, #tpu.memory_space<vmem>>, %arg20: memref<128x172xf32, #tpu.memory_space<vmem>>) attributes {dimension_semantics = [#tpu.dimension_semantics<arbitrary>], iteration_bounds = array<i64: 32>, scalar_prefetch = 0 : i64, scratch_operands = 0 : i64, tpu.core_type = #tpu.core_type<tc>, window_params = [{transform_indices = @transform_0, window_bounds = array<i64: 4096, 128>}, {transform_indices = @transform_1, window_bounds = array<i64: 4096, 16>}, {transform_indices = @transform_2, window_bounds = array<i64: 128, 128>}, {transform_indices = @transform_3, window_bounds = array<i64: 128, 1, 1>}, {transform_indices = @transform_4, window_bounds = array<i64: 128, 32, 1>}, {transform_indices = @transform_5, window_bounds = array<i64: 128, 32, 1>}, {pipeline_mode = #tpu.pipeline_mode<synchronous>, transform_indices = @transform_6, window_bounds = array<i64: 1, 128>}, {pipeline_mode = #tpu.pipeline_mode<synchronous>, transform_indices = @transform_7, window_bounds = array<i64: 256, 256>}, {pipeline_mode = #tpu.pipeline_mode<synchronous>, transform_indices = @transform_8, window_bounds = array<i64: 128, 512>}, {pipeline_mode = #tpu.pipeline_mode<synchronous>, transform_indices = @transform_9, window_bounds = array<i64: 16, 512>}, {pipeline_mode = #tpu.pipeline_mode<synchronous>, transform_indices = @transform_10, window_bounds = array<i64: 4, 512>}, {pipeline_mode = #tpu.pipeline_mode<synchronous>, transform_indices = @transform_11, window_bounds = array<i64: 256, 256>}, {pipeline_mode = #tpu.pipeline_mode<synchronous>, transform_indices = @transform_12, window_bounds = array<i64: 1, 256>}, {pipeline_mode = #tpu.pipeline_mode<synchronous>, transform_indices = @transform_13, window_bounds = array<i64: 1, 256>}, {pipeline_mode = #tpu.pipeline_mode<synchronous>, transform_indices = @transform_14, window_bounds = array<i64: 1, 256>}, {pipeline_mode = #tpu.pipeline_mode<synchronous>, transform_indices = @transform_15, window_bounds = array<i64: 384, 128>}, {pipeline_mode = #tpu.pipeline_mode<synchronous>, transform_indices = @transform_16, window_bounds = array<i64: 1, 128>}, {pipeline_mode = #tpu.pipeline_mode<synchronous>, transform_indices = @transform_17, window_bounds = array<i64: 128, 172>}, {pipeline_mode = #tpu.pipeline_mode<synchronous>, transform_indices = @transform_18, window_bounds = array<i64: 1, 172>}, {transform_indices = @transform_19, window_bounds = array<i64: 128, 172>}]} {
    %get3A = arith.constant 0 : index
    %get3A_0 = arith.constant 0 : index
    %get3A_1 = arith.constant 0 : index
    %get3A_2 = vector.load %arg4[%get3A, %get3A_0, %get3A_1] : memref<128x1x1xf32, #tpu.memory_space<vmem>>, vector<128x1x1xf32>
    %get3A_3 = arith.constant 0 : index
    %get3A_4 = arith.constant 0 : index
    %get3A_5 = arith.constant 0 : index
    %get3A_6 = vector.load %arg5[%get3A_3, %get3A_4, %get3A_5] : memref<128x32x1xf32, #tpu.memory_space<vmem>>, vector<128x32x1xf32>
    %sub3A = vector.broadcast %get3A_2 : vector<128x1x1xf32> to vector<128x32x1xf32>
    %sub3A_7 = arith.subf %sub3A, %get3A_6 : vector<128x32x1xf32>
    %mul3A = arith.mulf %sub3A_7, %sub3A_7 : vector<128x32x1xf32>
    %mul3A_8 = arith.mulf %mul3A, %mul3A : vector<128x32x1xf32>
    %mul3A_9 = arith.mulf %mul3A_8, %mul3A : vector<128x32x1xf32>
    %broadcast_in_dim3A = arith.constant 1.000000e+00 : f32
    %broadcast_in_dim3A_10 = vector.broadcast %broadcast_in_dim3A : f32 to vector<128x32x1xf32>
    %concatenate3A = tpu.concatenate %broadcast_in_dim3A_10, %mul3A, %mul3A_8, %mul3A_9 in 2 : vector<128x32x1xf32>, vector<128x32x1xf32>, vector<128x32x1xf32>, vector<128x32x1xf32> -> vector<128x32x4xf32>
    %reshape3A = vector.shape_cast %concatenate3A : vector<128x32x4xf32> to vector<4096x4xf32>
    %get3A_11 = arith.constant 0 : index
    %get3A_12 = arith.constant 0 : index
    %get3A_13 = vector.load %arg1[%get3A_11, %get3A_12] : memref<4096x128xf32, #tpu.memory_space<vmem>>, vector<4096x128xf32>
    %get3A_14 = arith.constant 0 : index
    %get3A_15 = arith.constant 0 : index
    %get3A_16 = vector.load %arg2[%get3A_14, %get3A_15] : memref<4096x16xf32, #tpu.memory_space<vmem>>, vector<4096x16xf32>
    %get3A_17 = arith.constant 0 : index
    %get3A_18 = arith.constant 0 : index
    %get3A_19 = vector.load %arg9[%get3A_17, %get3A_18] : memref<128x512xf32, #tpu.memory_space<vmem>>, vector<128x512xf32>
    %dot_general3A = arith.constant dense<0.000000e+00> : vector<4096x512xf32>
    %dot_general3A_20 = tpu.matmul %get3A_13, %get3A_19, %dot_general3A {dimension_numbers = #tpu.dot_dimension_numbers<[1], [0], [0], [1], [0, 0, 1, 1], [], []>, transpose_lhs_hint = false} : vector<4096x128xf32>, vector<128x512xf32>, vector<4096x512xf32> -> vector<4096x512xf32>
    %get3A_21 = arith.constant 0 : index
    %get3A_22 = arith.constant 0 : index
    %get3A_23 = vector.load %arg10[%get3A_21, %get3A_22] : memref<16x512xf32, #tpu.memory_space<vmem>>, vector<16x512xf32>
    %dot_general3A_24 = arith.constant dense<0.000000e+00> : vector<4096x512xf32>
    %dot_general3A_25 = tpu.matmul %get3A_16, %get3A_23, %dot_general3A_24 {dimension_numbers = #tpu.dot_dimension_numbers<[1], [0], [0], [1], [0, 0, 1, 1], [], []>, transpose_lhs_hint = false} : vector<4096x16xf32>, vector<16x512xf32>, vector<4096x512xf32> -> vector<4096x512xf32>
    %add3A = arith.addf %dot_general3A_20, %dot_general3A_25 : vector<4096x512xf32>
    %get3A_26 = arith.constant 0 : index
    %get3A_27 = arith.constant 0 : index
    %get3A_28 = vector.load %arg11[%get3A_26, %get3A_27] : memref<4x512xf32, #tpu.memory_space<vmem>>, vector<4x512xf32>
    %dot_general3A_29 = arith.constant dense<0.000000e+00> : vector<4096x512xf32>
    %dot_general3A_30 = tpu.matmul %reshape3A, %get3A_28, %dot_general3A_29 {dimension_numbers = #tpu.dot_dimension_numbers<[1], [0], [0], [1], [0, 0, 1, 1], [], []>, transpose_lhs_hint = false} : vector<4096x4xf32>, vector<4x512xf32>, vector<4096x512xf32> -> vector<4096x512xf32>
    %add3A_31 = arith.addf %add3A, %dot_general3A_30 : vector<4096x512xf32>
    %reshape3A_32 = vector.shape_cast %add3A_31 : vector<4096x512xf32> to vector<128x32x512xf32>
    %get3A_33 = arith.constant 0 : index
    %get3A_34 = arith.constant 0 : index
    %get3A_35 = vector.load %arg3[%get3A_33, %get3A_34] : memref<128x128xf32, #tpu.memory_space<vmem>>, vector<128x128xf32>
    %get3A_36 = arith.constant 0 : index
    %get3A_37 = arith.constant 0 : index
    %get3A_38 = vector.load %arg7[%get3A_36, %get3A_37] : memref<1x128xf32, #tpu.memory_space<vmem>>, vector<1x128xf32>
    %cos3A = math.cos %get3A_38 : vector<1x128xf32>
    %broadcast_in_dim3A_39 = vector.shape_cast %cos3A : vector<1x128xf32> to vector<1x128xf32>
    %broadcast_in_dim3A_40 = vector.broadcast %broadcast_in_dim3A_39 : vector<1x128xf32> to vector<128x128xf32>
    %concatenate3A_41 = tpu.concatenate %get3A_35, %broadcast_in_dim3A_40 in 1 : vector<128x128xf32>, vector<128x128xf32> -> vector<128x256xf32>
    %get3A_42 = arith.constant 0 : index
    %get3A_43 = arith.constant 0 : index
    %get3A_44 = vector.load %arg8[%get3A_42, %get3A_43] : memref<256x256xf32, #tpu.memory_space<vmem>>, vector<256x256xf32>
    %dot_general3A_45 = arith.constant dense<0.000000e+00> : vector<128x256xf32>
    %dot_general3A_46 = tpu.matmul %concatenate3A_41, %get3A_44, %dot_general3A_45 {dimension_numbers = #tpu.dot_dimension_numbers<[1], [0], [0], [1], [0, 0, 1, 1], [], []>, transpose_lhs_hint = false} : vector<128x256xf32>, vector<256x256xf32>, vector<128x256xf32> -> vector<128x256xf32>
    %broadcast_in_dim3A_47 = vector.shape_cast %dot_general3A_46 : vector<128x256xf32> to vector<128x1x256xf32>
    %get3A_48 = arith.constant 0 : index
    %get3A_49 = arith.constant 0 : index
    %get3A_50 = arith.constant 0 : index
    %get3A_51 = vector.load %arg6[%get3A_48, %get3A_49, %get3A_50] : memref<128x32x1xf32, #tpu.memory_space<vmem>>, vector<128x32x1xf32>
    %eq3A = arith.constant 0.000000e+00 : f32
    %eq3A_52 = vector.broadcast %eq3A : f32 to vector<128x32x1xf32>
    %eq3A_53 = arith.cmpf oeq, %get3A_51, %eq3A_52 : vector<128x32x1xf32>
    %slice3A = vector.extract_strided_slice %reshape3A_32 {offsets = [0, 0, 0], sizes = [128, 32, 128], strides = [1, 1, 1]} : vector<128x32x512xf32> to vector<128x32x128xf32>
    %slice3A_54 = vector.extract_strided_slice %reshape3A_32 {offsets = [0, 0, 256], sizes = [128, 32, 128], strides = [1, 1, 1]} : vector<128x32x512xf32> to vector<128x32x128xf32>
    %slice3A_55 = vector.extract_strided_slice %broadcast_in_dim3A_47 {offsets = [0, 0, 0], sizes = [128, 1, 128], strides = [1, 1, 1]} : vector<128x1x256xf32> to vector<128x1x128xf32>
    %mul3A_56 = vector.broadcast %slice3A_55 : vector<128x1x128xf32> to vector<128x32x128xf32>
    %mul3A_57 = arith.mulf %mul3A_56, %slice3A : vector<128x32x128xf32>
    %reduce_sum3A = arith.constant dense<0.000000e+00> : vector<128x32xf32>
    %reduce_sum3A_58 = vector.multi_reduction <add>, %mul3A_57, %reduce_sum3A [2] : vector<128x32x128xf32> to vector<128x32xf32>
    %broadcast_in_dim3A_59 = vector.shape_cast %reduce_sum3A_58 : vector<128x32xf32> to vector<128x32x1xf32>
    %mul3A_60 = arith.constant 0.0883883461 : f32
    %mul3A_61 = vector.broadcast %mul3A_60 : f32 to vector<128x32x1xf32>
    %mul3A_62 = arith.mulf %broadcast_in_dim3A_59, %mul3A_61 : vector<128x32x1xf32>
    %jit3A = arith.constant -1.000000e+10 : f32
    %broadcast_in_dim3A_63 = vector.broadcast %jit3A : f32 to vector<128x32x1xf32>
    %select_n3A = arith.select %eq3A_53, %broadcast_in_dim3A_63, %mul3A_62 : vector<128x32x1xi1>, vector<128x32x1xf32>
    %reduce_max3A = arith.constant dense<0xFF800000> : vector<128x1xf32>
    %reduce_max3A_64 = vector.multi_reduction <maximumf>, %select_n3A, %reduce_max3A [1] : vector<128x32x1xf32> to vector<128x1xf32>
    %broadcast_in_dim3A_65 = vector.shape_cast %reduce_max3A_64 : vector<128x1xf32> to vector<128x1x1xf32>
    %sub3A_66 = vector.broadcast %broadcast_in_dim3A_65 : vector<128x1x1xf32> to vector<128x32x1xf32>
    %sub3A_67 = arith.subf %select_n3A, %sub3A_66 : vector<128x32x1xf32>
    %exp3A = math.exp %sub3A_67 : vector<128x32x1xf32>
    %reduce_sum3A_68 = arith.constant dense<0.000000e+00> : vector<128x1xf32>
    %reduce_sum3A_69 = vector.multi_reduction <add>, %exp3A, %reduce_sum3A_68 [1] : vector<128x32x1xf32> to vector<128x1xf32>
    %broadcast_in_dim3A_70 = vector.shape_cast %reduce_sum3A_69 : vector<128x1xf32> to vector<128x1x1xf32>
    %div3A = vector.broadcast %broadcast_in_dim3A_70 : vector<128x1x1xf32> to vector<128x32x1xf32>
    %div3A_71 = arith.divf %exp3A, %div3A : vector<128x32x1xf32>
    %mul3A_72 = vector.broadcast %div3A_71 : vector<128x32x1xf32> to vector<128x32x128xf32>
    %mul3A_73 = arith.mulf %mul3A_72, %slice3A_54 : vector<128x32x128xf32>
    %reduce_sum3A_74 = arith.constant dense<0.000000e+00> : vector<128x128xf32>
    %reduce_sum3A_75 = vector.multi_reduction <add>, %mul3A_73, %reduce_sum3A_74 [1] : vector<128x32x128xf32> to vector<128x128xf32>
    %slice3A_76 = vector.extract_strided_slice %reshape3A_32 {offsets = [0, 0, 128], sizes = [128, 32, 128], strides = [1, 1, 1]} : vector<128x32x512xf32> to vector<128x32x128xf32>
    %slice3A_77 = vector.extract_strided_slice %reshape3A_32 {offsets = [0, 0, 384], sizes = [128, 32, 128], strides = [1, 1, 1]} : vector<128x32x512xf32> to vector<128x32x128xf32>
    %slice3A_78 = vector.extract_strided_slice %broadcast_in_dim3A_47 {offsets = [0, 0, 128], sizes = [128, 1, 128], strides = [1, 1, 1]} : vector<128x1x256xf32> to vector<128x1x128xf32>
    %mul3A_79 = vector.broadcast %slice3A_78 : vector<128x1x128xf32> to vector<128x32x128xf32>
    %mul3A_80 = arith.mulf %mul3A_79, %slice3A_76 : vector<128x32x128xf32>
    %reduce_sum3A_81 = arith.constant dense<0.000000e+00> : vector<128x32xf32>
    %reduce_sum3A_82 = vector.multi_reduction <add>, %mul3A_80, %reduce_sum3A_81 [2] : vector<128x32x128xf32> to vector<128x32xf32>
    %broadcast_in_dim3A_83 = vector.shape_cast %reduce_sum3A_82 : vector<128x32xf32> to vector<128x32x1xf32>
    %mul3A_84 = arith.constant 0.0883883461 : f32
    %mul3A_85 = vector.broadcast %mul3A_84 : f32 to vector<128x32x1xf32>
    %mul3A_86 = arith.mulf %broadcast_in_dim3A_83, %mul3A_85 : vector<128x32x1xf32>
    %jit3A_87 = arith.constant -1.000000e+10 : f32
    %broadcast_in_dim3A_88 = vector.broadcast %jit3A_87 : f32 to vector<128x32x1xf32>
    %select_n3A_89 = arith.select %eq3A_53, %broadcast_in_dim3A_88, %mul3A_86 : vector<128x32x1xi1>, vector<128x32x1xf32>
    %reduce_max3A_90 = arith.constant dense<0xFF800000> : vector<128x1xf32>
    %reduce_max3A_91 = vector.multi_reduction <maximumf>, %select_n3A_89, %reduce_max3A_90 [1] : vector<128x32x1xf32> to vector<128x1xf32>
    %broadcast_in_dim3A_92 = vector.shape_cast %reduce_max3A_91 : vector<128x1xf32> to vector<128x1x1xf32>
    %sub3A_93 = vector.broadcast %broadcast_in_dim3A_92 : vector<128x1x1xf32> to vector<128x32x1xf32>
    %sub3A_94 = arith.subf %select_n3A_89, %sub3A_93 : vector<128x32x1xf32>
    %exp3A_95 = math.exp %sub3A_94 : vector<128x32x1xf32>
    %reduce_sum3A_96 = arith.constant dense<0.000000e+00> : vector<128x1xf32>
    %reduce_sum3A_97 = vector.multi_reduction <add>, %exp3A_95, %reduce_sum3A_96 [1] : vector<128x32x1xf32> to vector<128x1xf32>
    %broadcast_in_dim3A_98 = vector.shape_cast %reduce_sum3A_97 : vector<128x1xf32> to vector<128x1x1xf32>
    %div3A_99 = vector.broadcast %broadcast_in_dim3A_98 : vector<128x1x1xf32> to vector<128x32x1xf32>
    %div3A_100 = arith.divf %exp3A_95, %div3A_99 : vector<128x32x1xf32>
    %mul3A_101 = vector.broadcast %div3A_100 : vector<128x32x1xf32> to vector<128x32x128xf32>
    %mul3A_102 = arith.mulf %mul3A_101, %slice3A_77 : vector<128x32x128xf32>
    %reduce_sum3A_103 = arith.constant dense<0.000000e+00> : vector<128x128xf32>
    %reduce_sum3A_104 = vector.multi_reduction <add>, %mul3A_102, %reduce_sum3A_103 [1] : vector<128x32x128xf32> to vector<128x128xf32>
    %concatenate3A_105 = tpu.concatenate %reduce_sum3A_75, %reduce_sum3A_104 in 1 : vector<128x128xf32>, vector<128x128xf32> -> vector<128x256xf32>
    %get3A_106 = arith.constant 0 : index
    %get3A_107 = arith.constant 0 : index
    %get3A_108 = vector.load %arg12[%get3A_106, %get3A_107] : memref<256x256xf32, #tpu.memory_space<vmem>>, vector<256x256xf32>
    %dot_general3A_109 = arith.constant dense<0.000000e+00> : vector<128x256xf32>
    %dot_general3A_110 = tpu.matmul %concatenate3A_105, %get3A_108, %dot_general3A_109 {dimension_numbers = #tpu.dot_dimension_numbers<[1], [0], [0], [1], [0, 0, 1, 1], [], []>, transpose_lhs_hint = false} : vector<128x256xf32>, vector<256x256xf32>, vector<128x256xf32> -> vector<128x256xf32>
    %get3A_111 = arith.constant 0 : index
    %get3A_112 = arith.constant 0 : index
    %get3A_113 = vector.load %arg13[%get3A_111, %get3A_112] : memref<1x256xf32, #tpu.memory_space<vmem>>, vector<1x256xf32>
    %add3A_114 = vector.broadcast %get3A_113 : vector<1x256xf32> to vector<128x256xf32>
    %add3A_115 = arith.addf %dot_general3A_110, %add3A_114 : vector<128x256xf32>
    %add3A_116 = arith.addf %add3A_115, %concatenate3A_41 : vector<128x256xf32>
    %reduce_sum3A_117 = arith.constant dense<0.000000e+00> : vector<128xf32>
    %reduce_sum3A_118 = vector.multi_reduction <add>, %add3A_116, %reduce_sum3A_117 [1] : vector<128x256xf32> to vector<128xf32>
    %broadcast_in_dim3A_119 = vector.shape_cast %reduce_sum3A_118 : vector<128xf32> to vector<128x1xf32>
    %div3A_120 = arith.constant 2.560000e+02 : f32
    %div3A_121 = vector.broadcast %div3A_120 : f32 to vector<128x1xf32>
    %div3A_122 = arith.divf %broadcast_in_dim3A_119, %div3A_121 : vector<128x1xf32>
    %sub3A_123 = vector.broadcast %div3A_122 : vector<128x1xf32> to vector<128x256xf32>
    %sub3A_124 = arith.subf %add3A_116, %sub3A_123 : vector<128x256xf32>
    %integer_pow3A = arith.mulf %sub3A_124, %sub3A_124 : vector<128x256xf32>
    %reduce_sum3A_125 = arith.constant dense<0.000000e+00> : vector<128xf32>
    %reduce_sum3A_126 = vector.multi_reduction <add>, %integer_pow3A, %reduce_sum3A_125 [1] : vector<128x256xf32> to vector<128xf32>
    %broadcast_in_dim3A_127 = vector.shape_cast %reduce_sum3A_126 : vector<128xf32> to vector<128x1xf32>
    %div3A_128 = arith.constant 2.560000e+02 : f32
    %div3A_129 = vector.broadcast %div3A_128 : f32 to vector<128x1xf32>
    %div3A_130 = arith.divf %broadcast_in_dim3A_127, %div3A_129 : vector<128x1xf32>
    %sub3A_131 = vector.broadcast %div3A_122 : vector<128x1xf32> to vector<128x256xf32>
    %sub3A_132 = arith.subf %add3A_116, %sub3A_131 : vector<128x256xf32>
    %add3A_133 = arith.constant 9.99999974E-6 : f32
    %add3A_134 = vector.broadcast %add3A_133 : f32 to vector<128x1xf32>
    %add3A_135 = arith.addf %div3A_130, %add3A_134 : vector<128x1xf32>
    %sqrt3A = math.sqrt %add3A_135 : vector<128x1xf32>
    %div3A_136 = vector.broadcast %sqrt3A : vector<128x1xf32> to vector<128x256xf32>
    %div3A_137 = arith.divf %sub3A_132, %div3A_136 : vector<128x256xf32>
    %get3A_138 = arith.constant 0 : index
    %get3A_139 = arith.constant 0 : index
    %get3A_140 = vector.load %arg14[%get3A_138, %get3A_139] : memref<1x256xf32, #tpu.memory_space<vmem>>, vector<1x256xf32>
    %mul3A_141 = vector.broadcast %get3A_140 : vector<1x256xf32> to vector<128x256xf32>
    %mul3A_142 = arith.mulf %div3A_137, %mul3A_141 : vector<128x256xf32>
    %get3A_143 = arith.constant 0 : index
    %get3A_144 = arith.constant 0 : index
    %get3A_145 = vector.load %arg15[%get3A_143, %get3A_144] : memref<1x256xf32, #tpu.memory_space<vmem>>, vector<1x256xf32>
    %add3A_146 = vector.broadcast %get3A_145 : vector<1x256xf32> to vector<128x256xf32>
    %add3A_147 = arith.addf %mul3A_142, %add3A_146 : vector<128x256xf32>
    %concatenate3A_148 = tpu.concatenate %add3A_147, %get3A_35 in 1 : vector<128x256xf32>, vector<128x128xf32> -> vector<128x384xf32>
    %get3A_149 = arith.constant 0 : index
    %get3A_150 = arith.constant 0 : index
    %get3A_151 = vector.load %arg16[%get3A_149, %get3A_150] : memref<384x128xf32, #tpu.memory_space<vmem>>, vector<384x128xf32>
    %dot_general3A_152 = arith.constant dense<0.000000e+00> : vector<128x128xf32>
    %dot_general3A_153 = tpu.matmul %concatenate3A_148, %get3A_151, %dot_general3A_152 {dimension_numbers = #tpu.dot_dimension_numbers<[1], [0], [0], [1], [0, 0, 1, 1], [], []>, transpose_lhs_hint = false} : vector<128x384xf32>, vector<384x128xf32>, vector<128x128xf32> -> vector<128x128xf32>
    %get3A_154 = arith.constant 0 : index
    %get3A_155 = arith.constant 0 : index
    %get3A_156 = vector.load %arg17[%get3A_154, %get3A_155] : memref<1x128xf32, #tpu.memory_space<vmem>>, vector<1x128xf32>
    %add3A_157 = vector.broadcast %get3A_156 : vector<1x128xf32> to vector<128x128xf32>
    %add3A_158 = arith.addf %dot_general3A_153, %add3A_157 : vector<128x128xf32>
    %max3A = arith.constant 0.000000e+00 : f32
    %max3A_159 = vector.broadcast %max3A : f32 to vector<128x128xf32>
    %max3A_160 = arith.maximumf %add3A_158, %max3A_159 : vector<128x128xf32>
    %get3A_161 = arith.constant 0 : index
    %get3A_162 = arith.constant 0 : index
    %get3A_163 = vector.load %arg18[%get3A_161, %get3A_162] : memref<128x172xf32, #tpu.memory_space<vmem>>, vector<128x172xf32>
    %dot_general3A_164 = arith.constant dense<0.000000e+00> : vector<128x172xf32>
    %dot_general3A_165 = tpu.matmul %max3A_160, %get3A_163, %dot_general3A_164 {dimension_numbers = #tpu.dot_dimension_numbers<[1], [0], [0], [1], [0, 0, 1, 1], [], []>, transpose_lhs_hint = false} : vector<128x128xf32>, vector<128x172xf32>, vector<128x172xf32> -> vector<128x172xf32>
    %get3A_166 = arith.constant 0 : index
    %get3A_167 = arith.constant 0 : index
    %get3A_168 = vector.load %arg19[%get3A_166, %get3A_167] : memref<1x172xf32, #tpu.memory_space<vmem>>, vector<1x172xf32>
    %add3A_169 = vector.broadcast %get3A_168 : vector<1x172xf32> to vector<128x172xf32>
    %add3A_170 = arith.addf %dot_general3A_165, %add3A_169 : vector<128x172xf32>
    %swap3A = arith.constant 0 : index
    %swap3A_171 = arith.constant 0 : index
    %swap3A_172 = vector.load %arg20[%swap3A, %swap3A_171] : memref<128x172xf32, #tpu.memory_space<vmem>>, vector<128x172xf32>
    tpu.vector_store %arg20[%swap3A, %swap3A_171], %add3A_170 {strides = array<i32>} : memref<128x172xf32, #tpu.memory_space<vmem>>, vector<128x172xf32>,
    return
  }
  func.func @transform_0(%arg0: i32) -> (i32, i32) {
    %c0_i32 = arith.constant 0 : i32
    %c0_i32_0 = arith.constant 0 : i32
    return %arg0, %c0_i32 : i32, i32
  }
  func.func @transform_1(%arg0: i32) -> (i32, i32) {
    %c0_i32 = arith.constant 0 : i32
    %c0_i32_0 = arith.constant 0 : i32
    return %arg0, %c0_i32 : i32, i32
  }
  func.func @transform_2(%arg0: i32) -> (i32, i32) {
    %c0_i32 = arith.constant 0 : i32
    %c0_i32_0 = arith.constant 0 : i32
    return %arg0, %c0_i32 : i32, i32
  }
  func.func @transform_3(%arg0: i32) -> (i32, i32, i32) {
    %c0_i32 = arith.constant 0 : i32
    %c0_i32_0 = arith.constant 0 : i32
    %c0_i32_1 = arith.constant 0 : i32
    return %arg0, %c0_i32, %c0_i32_0 : i32, i32, i32
  }
  func.func @transform_4(%arg0: i32) -> (i32, i32, i32) {
    %c0_i32 = arith.constant 0 : i32
    %c0_i32_0 = arith.constant 0 : i32
    %c0_i32_1 = arith.constant 0 : i32
    return %arg0, %c0_i32, %c0_i32_0 : i32, i32, i32
  }
  func.func @transform_5(%arg0: i32) -> (i32, i32, i32) {
    %c0_i32 = arith.constant 0 : i32
    %c0_i32_0 = arith.constant 0 : i32
    %c0_i32_1 = arith.constant 0 : i32
    return %arg0, %c0_i32, %c0_i32_0 : i32, i32, i32
  }
  func.func @transform_6(%arg0: i32) -> (i32, i32) {
    %c0_i32 = arith.constant 0 : i32
    %c0_i32_0 = arith.constant 0 : i32
    %c0_i32_1 = arith.constant 0 : i32
    return %c0_i32, %c0_i32_0 : i32, i32
  }
  func.func @transform_7(%arg0: i32) -> (i32, i32) {
    %c0_i32 = arith.constant 0 : i32
    %c0_i32_0 = arith.constant 0 : i32
    %c0_i32_1 = arith.constant 0 : i32
    return %c0_i32, %c0_i32_0 : i32, i32
  }
  func.func @transform_8(%arg0: i32) -> (i32, i32) {
    %c0_i32 = arith.constant 0 : i32
    %c0_i32_0 = arith.constant 0 : i32
    %c0_i32_1 = arith.constant 0 : i32
    return %c0_i32, %c0_i32_0 : i32, i32
  }
  func.func @transform_9(%arg0: i32) -> (i32, i32) {
    %c0_i32 = arith.constant 0 : i32
    %c0_i32_0 = arith.constant 0 : i32
    %c0_i32_1 = arith.constant 0 : i32
    return %c0_i32, %c0_i32_0 : i32, i32
  }
  func.func @transform_10(%arg0: i32) -> (i32, i32) {
    %c0_i32 = arith.constant 0 : i32
    %c0_i32_0 = arith.constant 0 : i32
    %c0_i32_1 = arith.constant 0 : i32
    return %c0_i32, %c0_i32_0 : i32, i32
  }
  func.func @transform_11(%arg0: i32) -> (i32, i32) {
    %c0_i32 = arith.constant 0 : i32
    %c0_i32_0 = arith.constant 0 : i32
    %c0_i32_1 = arith.constant 0 : i32
    return %c0_i32, %c0_i32_0 : i32, i32
  }
  func.func @transform_12(%arg0: i32) -> (i32, i32) {
    %c0_i32 = arith.constant 0 : i32
    %c0_i32_0 = arith.constant 0 : i32
    %c0_i32_1 = arith.constant 0 : i32
    return %c0_i32, %c0_i32_0 : i32, i32
  }
  func.func @transform_13(%arg0: i32) -> (i32, i32) {
    %c0_i32 = arith.constant 0 : i32
    %c0_i32_0 = arith.constant 0 : i32
    %c0_i32_1 = arith.constant 0 : i32
    return %c0_i32, %c0_i32_0 : i32, i32
  }
  func.func @transform_14(%arg0: i32) -> (i32, i32) {
    %c0_i32 = arith.constant 0 : i32
    %c0_i32_0 = arith.constant 0 : i32
    %c0_i32_1 = arith.constant 0 : i32
    return %c0_i32, %c0_i32_0 : i32, i32
  }
  func.func @transform_15(%arg0: i32) -> (i32, i32) {
    %c0_i32 = arith.constant 0 : i32
    %c0_i32_0 = arith.constant 0 : i32
    %c0_i32_1 = arith.constant 0 : i32
    return %c0_i32, %c0_i32_0 : i32, i32
  }
  func.func @transform_16(%arg0: i32) -> (i32, i32) {
    %c0_i32 = arith.constant 0 : i32
    %c0_i32_0 = arith.constant 0 : i32
    %c0_i32_1 = arith.constant 0 : i32
    return %c0_i32, %c0_i32_0 : i32, i32
  }
  func.func @transform_17(%arg0: i32) -> (i32, i32) {
    %c0_i32 = arith.constant 0 : i32
    %c0_i32_0 = arith.constant 0 : i32
    %c0_i32_1 = arith.constant 0 : i32
    return %c0_i32, %c0_i32_0 : i32, i32
  }
  func.func @transform_18(%arg0: i32) -> (i32, i32) {
    %c0_i32 = arith.constant 0 : i32
    %c0_i32_0 = arith.constant 0 : i32
    %c0_i32_1 = arith.constant 0 : i32
    return %c0_i32, %c0_i32_0 : i32, i32
  }
  func.func @transform_19(%arg0: i32) -> (i32, i32) {
    %c0_i32 = arith.constant 0 : i32
    %c0_i32_0 = arith.constant 0 : i32
    return %arg0, %c0_i32 : i32, i32
  }
}

</mosaic_0001>

<sc_bundles>
// kernel: kernel.5.cloned.1.call-start
scs
__scs_entry_jumppad:
0x0: {  	(pc) =	sbr.rel $0x88, $3  }
0x1: {  	(tag) =	ssettag $0x0;
	lr =	simm.s32 $0x1  }
0x2: {  	[smem:$0x3F8C] =	sst lr;
	_ =	strace $0xD0000000  }
0x3: {  	_ = 	snop  }
0x4: {  	_ = 	snop  }
0x5: {  	_ = 	snop  }
0x6: {  	_ = 	snop  }
0x7: {  	_ = 	snop  }
__scs_overlays_trampoline_lowered:
0x8: {  	[smem:$0x3F9B] =	sst s0  }
0x9: {  	[smem:$0x3F9C] =	sst s1  }
0xa: {  	[smem:$0x3F9D] =	sst s2  }
0xb: {  	[smem:$0x3F9E] =	sst s3  }
0xc: {  	[smem:$0x3F9F] =	sst s4  }
0xd: {  	[smem:$0x3FA0] =	sst s5  }
0xe: {  	[smem:$0x3FA1] =	sst s6  }
0xf: {  	[smem:$0x3FA2] =	sst s7  }
0x10: {  	[smem:$0x3FA3] =	sst s8  }
0x11: {  	[smem:$0x3FA4] =	sst s9;
	s0 =	simm.s32 @!p0 $0x0  }
0x12: {  	s1 =	sld [smem:$0x3F8A];
	s0 =	simm.s32 @p0 $0x1  }
0x13: {  	[smem:$0x3FA5] =	sst s0;
	s0 =	simm.s32 @!p1 $0x0  }
0x14: {  	s2 =	sld [smem:$0x3F89];
	s0 =	simm.s32 @p1 $0x1  }
0x15: {  	[smem:$0x3FA6] =	sst s0;
	s0 =	simm.s32 @!p2 $0x0  }
0x16: {  	s3 =	sld [smem:$0x3FDB];
	s0 =	simm.s32 @p2 $0x1  }
0x17: {  	s4 =	simm.s32 $0x1BF5;
	[smem:$0x3FA8] =	sst s0  }
0x18: {  	s0 =	sld [smem:$0x3F8B];
	_ =	swait.ge [sflag:s4], $0x0  }
0x19: {  	s7 =	sld [smem:$0x3F8C]  }
0x1a: {  	s8 =	sadd.s32 $0xFFFFE003, lr  }
0x1b: {  	s9 =	sadd.s32 $0xFFFFFEF7, lr;
	s5 =	simm.s32 $0xFFFFFFFF;
	p2 =	slt.u32 s8, $0xFFFFF086  }
0x1c: {  	p1 =	slt.u32 s9, $0xF7A;
	s5 =	simm.s32 @!p2 $0x0  }
0x1d: {  	s5 =	simm.s32 @p1 $0x1;
	p0 =	seq.s32 s7, s2  }
0x1e: {  	s7 =	smul.u32 @!p0 $0xF7A, s2;
	p2 =	seq.s32 @!p0 s5, $0x0  }
0x1f: {  	s9 =	smul.u32 $0xF7A, s1;
	s8 =	simm.s32 @!p0 $0x1BF5;
	p2 =	por !p2, p0  }
0x20: {  	[sflag:s8] =	ssyncset.s32 @!p0 $0xFFFFF086;
	s6 =	sadd.s32 @!p0 s3, s7;
	s7 =	simm.s32 @!p0 $0x108  }
0x21: {  	s3 =	sadd.s32 s3, s9;
	s6 =	sadd.s32 @!p0 $0x88, s6;
	s7 =	simm.s32 @p2 $0x1082  }
0x22: {  	[simem:s7], [sflag:s8] =	dma.local @!p0 [hbm:s6], $0xF7A  }
0x23: {  	s9 =	sor.u32 $0xD0000000, s2;
	s6 =	simm.s32 $0x108;
	_ =	swait.ge @!p0 [sflag:s8], $0x0  }
0x24: {  	s3 =	sadd.s32 $0x88, s3;
	s6 =	simm.s32 @!p1 $0x1082;
	[sflag:s4] =	ssyncset.s32 $0xFFFFF086  }
0x25: {  	[simem:s6], [sflag:s4] =	dma.local [hbm:s3], $0xF7A  }
0x26: {  	[smem:$0x3F8C] =	sst s1;
	(tag) =	ssettag s2;
	_ =	strace s9  }
0x27: {  	s1 =	sld [smem:$0x3F9C]  }
0x28: {  	s2 =	sld [smem:$0x3F9D]  }
0x29: {  	s4 =	sld [smem:$0x3F9F]  }
0x2a: {  	p0 =	seq.s32 s5, $0x0;
	s5 =	sld [smem:$0x3FA0]  }
0x2b: {  	s6 =	sld [smem:$0x3FA1]  }
0x2c: {  	s7 =	sld [smem:$0x3FA2]  }
0x2d: {  	s3 =	simm.s32 $0x108;
	s8 =	sld [smem:$0x3FA3]  }
0x2e: {  	s3 =	simm.s32 @!p0 $0x1082;
	s9 =	sld [smem:$0x3FA4]  }
0x2f: {  	lr =	sadd.s32 s0, s3;
	s0 =	sld [smem:$0x3F9B]  }
0x30: {  	s3 =	sld [smem:$0x3F9E]  }
0x31: {  	[smem:$0x3FA7] =	sst s10  }
0x32: {  	s10 =	sld [smem:$0x3FA5];
	_ =	sdelay $0x3  }
0x33: {  	p0 =	seq.s32 s10, $0x1;
	s10 =	sld [smem:$0x3FA7];
	_ =	sdelay $0x3  }
0x34: {  	[smem:$0x3FA7] =	sst s10  }
0x35: {  	s10 =	sld [smem:$0x3FA6];
	_ =	sdelay $0x3  }
0x36: {  	p1 =	seq.s32 s10, $0x1;
	s10 =	sld [smem:$0x3FA7];
	_ =	sdelay $0x3  }
0x37: {  	[smem:$0x3FA7] =	sst s10  }
0x38: {  	s10 =	sld [smem:$0x3FA8]  }
0x39: {  	_ = 	snop;
	(pc) =	sbr.ind lr, $3  }
0x3a: {  	_ = 	snop  }
0x3b: {  	_ = 	snop  }
0x3c: {  	p2 =	seq.s32 s10, $0x1;
	s10 =	sld [smem:$0x3FA7]  }
0x3d: {  	_ =	shalt  }
0x3e: {  	_ =	shalt  }
0x3f: {  	_ =	shalt  }
0x40: {  	_ =	shalt  }
0x41: {  	_ =	shalt  }
0x42: {  	_ =	shalt  }
0x43: {  	_ =	shalt  }
0x44: {  	_ =	shalt  }
0x45: {  	_ =	shalt  }
0x46: {  	_ =	shalt  }
0x47: {  	_ =	shalt  }
0x48: {  	_ =	shalt  }
0x49: {  	_ =	shalt  }
0x4a: {  	_ =	shalt  }
0x4b: {  	_ =	shalt  }
0x4c: {  	_ =	shalt  }
0x4d: {  	_ =	shalt  }
0x4e: {  	_ =	shalt  }
0x4f: {  	_ =	shalt  }
0x50: {  	_ =	shalt  }
0x51: {  	_ =	shalt  }
0x52: {  	_ =	shalt  }
0x53: {  	_ =	shalt  }
0x54: {  	_ =	shalt  }
0x55: {  	_ =	shalt  }
0x56: {  	_ =	shalt  }
0x57: {  	_ =	shalt  }
0x58: {  	_ =	shalt  }
0x59: {  	_ =	shalt  }
0x5a: {  	_ =	shalt  }
0x5b: {  	_ =	shalt  }
0x5c: {  	_ =	shalt  }
0x5d: {  	_ =	shalt  }
0x5e: {  	_ =	shalt  }
0x5f: {  	_ =	shalt  }
0x60: {  	_ =	shalt  }
0x61: {  	_ =	shalt  }
0x62: {  	_ =	shalt  }
0x63: {  	_ =	shalt  }
0x64: {  	_ =	shalt  }
0x65: {  	_ =	shalt  }
0x66: {  	_ =	shalt  }
0x67: {  	_ =	shalt  }
0x68: {  	_ =	shalt  }
0x69: {  	_ =	shalt  }
0x6a: {  	_ =	shalt  }
0x6b: {  	_ =	shalt  }
0x6c: {  	_ =	shalt  }
0x6d: {  	_ =	shalt  }
0x6e: {  	_ =	shalt  }
0x6f: {  	_ =	shalt  }
0x70: {  	_ =	shalt  }
0x71: {  	_ =	shalt  }
0x72: {  	_ =	shalt  }
0x73: {  	_ =	shalt  }
0x74: {  	_ =	shalt  }
0x75: {  	_ =	shalt  }
0x76: {  	_ =	shalt  }
0x77: {  	_ =	shalt  }
0x78: {  	_ =	shalt  }
0x79: {  	_ =	shalt  }
0x7a: {  	_ =	shalt  }
0x7b: {  	_ =	shalt  }
0x7c: {  	_ =	shalt  }
0x7d: {  	_ =	shalt  }
0x7e: {  	_ =	shalt  }
0x7f: {  	_ =	shalt  }
0x80: {  	_ =	shalt  }
0x81: {  	_ =	shalt  }
0x82: {  	_ =	shalt  }
0x83: {  	_ =	shalt  }
0x84: {  	_ =	shalt  }
0x85: {  	_ =	shalt  }
0x86: {  	_ =	shalt  }
0x87: {  	_ =	shalt  }
.Lfunc_end0:
.L_simem_size_0:
called_computation_lowered:
.L_overlay_start_0:
0x88: {  	s2 =	sld [smem:$0x3FD9]  }
0x89: {  	s3 =	sld [smem:$0x3FFE];
	_ =	sdelay $0x1  }
0x8a: {  	s1 =	srdreg.scid  }
0x8b: {  	s0 =	sand.u32 $0x1, s1  }
0x8c: {  	s16 =	sshll.u32 s0, $0xA;
	s2 =	sadd.s32 s3, s2  }
0x8d: {  	s2 =	sadd.s32 s2, s16  }
0x8e: {  	[smem:$0x3FB3] =	sst s2  }
0x8f: {  	_ = 	snop  }
0x90: {  	(tm) =	ssettm $0x1  }
0x91: {  	s17 =	sld [smem:$0x3FFB];
	_ =	sdelay $0x3  }
0x92: {  	_ =	strace s17  }
0x93: {  	s2 =	sld [smem:$0x3FFC];
	_ =	sdelay $0x3  }
0x94: {  	_ =	strace s2  }
0x95: {  	s2 =	sld [smem:$0x3FFD];
	_ =	sdelay $0x3  }
0x96: {  	_ =	strace s2  }
0x97: {  	_ =	strace $0x8FFFFFFF  }
0x98: {  	s18 =	sld [smem:$0x3FDB];
	_ =	sdelay $0x1  }
0x99: {  	s19 =	simm.s32 $_scs_section_size  }
0x9a: {  	s4 =	simm.s32 $_size__tile_overlayer_lowered;
	s5 =	simm.s32 $_tile_overlayer_lowered  }
0x9b: {  	s22 =	simm.s32 $0x1BFF;
	s21 =	sshll.u32 s5, $0x1;
	s2 =	sadd.s32 s19, s18  }
0x9c: {  	s6 =	simm.s32 $0x0;
	s20 =	sshll.u32 s4, $0x1;
	s4 =	sadd.s32 s21, s2  }
0x9d: {  	[timem:s6], [sflag:s22] =	dma.local [hbm:s4], s20  }
0x9e: {  	_ =	swait.ge [sflag:s22], s20  }
0x9f: {  	s3 =	ssub.s32 $0x0, s20;
	[sflag:s22] =	ssyncset.done $0x0  }
0xa0: {  	[sflag:s22] =	ssyncadd.s32 s3;
	_ =	sdelay $0x1  }
0xa1: {  	s23 =	simm.s32 $0x1B8B  }
0xa2: {  	_ =	swait.ge [sflag:s23], $0x1  }
0xa3: {  	[sflag:s23] =	ssyncset.done $0x0  }
0xa4: {  	s25 =	simm.s32 $0x1B8E;
	s24 =	sld [smem:$0x3FFE];
	[sflag:s23] =	ssyncadd.s32 $0xFFFFFFFF  }
0xa5: {  	s26 =	simm.s32 $execute0_lowered;
	[smem:$0x3FD2] =	sst s25  }
0xa6: {  	s4 =	sshll.u32 s26, $0x1;
	_ =	strace $0x80000046;
	[dreg:$0x1] =	wrdreg $0xFFFFFFFF  }
0xa7: {  	s28 =	simm.s32 $_size_execute0_lowered;
	s2 =	sadd.s32 s2, s4;
	[dreg:$0x0] =	wrdreg $0x0  }
0xa8: {  	s4 =	sshll.u32 s28, $0x1;
	[dreg:$0x2] =	wrdreg s2  }
0xa9: {  	[dreg:$0x3] =	wrdreg s4  }
0xaa: {  	[dreg:$0x4] =	wrdreg $0xC0  }
0xab: {  	_ =	task [dreg:s6], $0x5FFFF  }
0xac: {  	[dreg:$0x1] =	wrdreg $0xFFFFFFFF  }
0xad: {  	[dreg:$0x0] =	wrdreg $0x60  }
0xae: {  	[dreg:$0x2] =	wrdreg s24  }
0xaf: {  	[dreg:$0x3] =	wrdreg $0x9  }
0xb0: {  	_ =	task.clear_ibuf [dreg:s6], $0x4FFFF;
	_ =	strace $0x90000046  }
0xb1: {  	s29 =	simm.s32 $0x9;
	_ =	strace $0x80000048  }
0xb2: {  	_ =	swait.ge [sflag:s29], $0x1  }
0xb3: {  	[sflag:s29] =	ssyncadd.s32 $0xFFFFFFFF  }
0xb4: {  	_ =	strace $0x90000048  }
0xb5: {  	_ =	sfence  }
0xb6: {  	s30 =	sld [smem:$0x0];
	_ =	sdelay $0x2  }
0xb7: {  	s31 =	sshll.u32 s1, $0xD;
	s1 =	sshrl.u32 s1, $0x2  }
0xb8: {  	s3 =	sand.u32 $0x4000, s31;
	s1 =	sadd.s32 s1, s30  }
0xb9: {  	s0 =	sor.u32 s3, s0;
	s1 =	sshll.u32 s1, $0x11  }
0xba: {  	s0 =	sor.u32 s1, s0  }
0xbb: {  	s0 =	sadd.s32 $0x8F2B, s0  }
0xbc: {  	[sflag:s0] =	ssyncadd.remote.s32 $0x1  }
0xbd: {  	_ =	sfence.sel $0xFFFF  }
0xbe: {  	[dreg:$0x0] =	wrdreg $0xFFFFFFFF;
	(pc) =	sbr.abs _section_cstart, $3  }
0xbf: {  	[dreg:$0x1] =	wrdreg $0xFFFFFFFF  }
0xc0: {  	_ =	task.clear_ibuf [dreg:s6], $0x2FFFF;
	_ =	strace $0x9FFFFFFF  }
0xc1: {  	(tm) =	ssettm $0x7FFFFFFF  }
tec
execute0_lowered:
.L_overlay_start_1:
0x0: {  	(tag) =	ssettag $0x1  }
0x1: {  	s4 =	rddreg [dreg:$0x0]  }
0x2: {  	s0 =	rddreg [dreg:$0x1];
	s2 =	simm.s32 $0x0;
	s3 =	srdreg.scid  }
0x3: {  	s1 =	stileid.u32;
	s10 =	simm.s32 $0x1;
	s11 =	simm.s32 $0x0  }
0x4: {  	[smem:$0x7FF] =	sst s2;
	s5 =	sand.u32 $0x1, s3;
	s3 =	sadd.s32 $0x186D400, s4  }
0x5: {  	s6 =	sshll.u32 s1, $0xA;
	s8 =	sshll.u32 s1, $0xE;
	_ =	strace $0x80000047  }
0x6: {  	s7 =	sshll.u32 s5, $0x9;
	s29 =	ssub.s32 $0x2, s5;
	s8 =	sadd.s32 s8, s4  }
0x7: {  	s30 =	sshll.u32 s5, $0xD;
	s6 =	sor.u32 s7, s6;
	s9 =	sshrl.u32 s29, $0x1  }
0x8: {  	s31 =	sadd.s32 s30, s8;
	s8 =	simm.s32 $0x80;
	s6 =	sadd.s32 s6, s4  }
0x9: {  	s7 =	ssub.s32 s29, s9;
	s9 =	simm.s32 $0x1000;
	s4 =	sadd.s32 $0x3400, s6  }
0xa: {  	s5 =	smax.u32 s7, $0x1;
	s6 =	sadd.s32 $0x7400, s31;
	s7 =	simm.s32 $0x2  }
.LBB2_1:
0xb: {  	[tilespmem:s2], [sflag:$0x2] =	stream.linear.gather [hbm4b:s4+s2], $0x1000, $0x38;
	[tilespmem:$0x1800] =	vst v63  }
0xc: {  	_ =	swait.ge [sflag:s7], $0x1000  }
0xd: {  	[sflag:s7] =	ssyncset.done $0x0  }
0xe: {  	[sflag:s7] =	ssyncadd.s32 $0xFFFFF000  }
0xf: {  	[tilespmem:s9], [sflag:$0x1] =	stream.indirect.gather [hbm4b:s3+s8], $0x10, s2, s8, $0xb8;
	[tilespmem:$0x1800] =	vst v63  }
0x10: {  	_ =	swait.ge [sflag:s10], $0x800  }
0x11: {  	[sflag:s10] =	ssyncset.done $0x0  }
0x12: {  	s12 =	sadd.s32 $0x0, s6;
	[sflag:s10] =	ssyncadd.s32 $0xFFFFF800  }
0x13: {  	[hbm4b:s12+s2] =	stream.linear.scatter [tilespmem:s9], [sflag:$0x2], $0x800, $0x38;
	[tilespmem:$0x1800] =	vst v63  }
0x14: {  	_ =	swait.ge [sflag:s7], $0x800  }
0x15: {  	s13 =	simm.s32 $0x0;
	s12 =	simm.s32 $0x100;
	[sflag:s7] =	ssyncset.done $0x0  }
.LBB2_2:
0x16: {  	p0 =	sne.s32 s12, $0x1F00;
	[sflag:s7] =	ssyncadd.s32 $0xFFFFF800;
	s13 =	sadd.s32 $0x80, s13  }
0x17: {  	[tilespmem:s9], [sflag:$0x1] =	stream.indirect.gather [hbm4b:s3+s8], $0x10, s13, s8, $0xb8;
	[tilespmem:$0x1800] =	vst v63  }
0x18: {  	s14 =	smov.u32 s12;
	s12 =	sadd.s32 $0x100, s12;
	_ =	swait.ge [sflag:s10], $0x800  }
.Ltmp0:
0x19: {  	[sflag:s10] =	ssyncset.done $0x0;
	(pc) =	sbr.rel @p0 .LBB2_2-.Ltmp0, $4  }
0x1a: {  	s14 =	sadd.s32 s14, s6;
	[sflag:s10] =	ssyncadd.s32 $0xFFFFF800  }
0x1b: {  	[hbm4b:s14+s2] =	stream.linear.scatter [tilespmem:s9], [sflag:$0x2], $0x800, $0x38;
	[tilespmem:$0x1800] =	vst v63  }
0x1c: {  	_ =	swait.ge [sflag:s7], $0x800  }
0x1d: {  	[sflag:s7] =	ssyncset.done $0x0  }
0x1e: {  	s11 =	sadd.s32 $0x1, s11  }
0x1f: {  	p0 =	sne.s32 s11, s5  }
.Ltmp1:
0x20: {  	_ = 	snop;
	(pc) =	sbr.rel @p0 .LBB2_1-.Ltmp1, $2  }
0x21: {  	_ =	sdelay $0x2  }
0x22: {  	[sflag:s7] =	ssyncadd.s32 $0xFFFFF800  }
0x23: {  	_ =	sfence.sel $0x180000  }
0x24: {  	[bflag:$0x0] =	sbarrier.arrive $0xFFFF  }
0x25: {  	p0 =	sne.s32 s1, $0x0;
	_ =	strace $0x90000047  }
0x26: {  	s0 =	sadd.s32 @!p0 $0x100000, s0;
	[bflag:$0x2] =	sbarrier.arrive $0xFFFF  }
0x27: {  	[sflag:s0] =	ssyncadd.tile.s32 @!p0 $0x1;
	_ =	shalt  }
.Lfunc_end2:
_tile_overlayer_lowered:
.L_overlay_start_2:
0x28: {  	(tag) =	ssettag $0x2  }
0x29: {  	s0 =	rddreg [dreg:$0x0];
	s2 =	stileid.u32  }
0x2a: {  	s1 =	rddreg [dreg:$0x1];
	p0 =	sne.s32 s2, $0x0  }
0x2b: {  	s3 =	rddreg [dreg:$0x2];
	[bflag:$0x3] =	sbarrier.arrive $0xFFFF;
	s2 =	simm.s32 @!p0 $0x1C02  }
0x2c: {  	[timem:s3], [sflag:s2] =	dma.local @!p0 [hbm:s0], s1  }
0x2d: {  	s0 =	simm.s32 @!p0 $0x2  }
0x2e: {  	_ =	swait.ge @!p0 [sflag:s0], s1  }
0x2f: {  	s1 =	ssub.s32 @!p0 $0x0, s1;
	[sflag:s0] =	ssyncset.done @!p0 $0x0  }
0x30: {  	[sflag:s0] =	ssyncadd.s32 @!p0 s1  }
0x31: {  	[bflag:$0x3] =	sbarrier.arrive $0xFFFF  }
0x32: {  	_ =	shalt  }

// kernel: kernel.8.cloned.1.call-start
scs
__scs_entry_jumppad:
0x0: {  	(pc) =	sbr.rel $0x88, $3  }
0x1: {  	(tag) =	ssettag $0x0;
	lr =	simm.s32 $0x1  }
0x2: {  	[smem:$0x3F8C] =	sst lr;
	_ =	strace $0xD0000000  }
0x3: {  	_ = 	snop  }
0x4: {  	_ = 	snop  }
0x5: {  	_ = 	snop  }
0x6: {  	_ = 	snop  }
0x7: {  	_ = 	snop  }
__scs_overlays_trampoline_lowered:
0x8: {  	[smem:$0x3F9B] =	sst s0  }
0x9: {  	[smem:$0x3F9C] =	sst s1  }
0xa: {  	[smem:$0x3F9D] =	sst s2  }
0xb: {  	[smem:$0x3F9E] =	sst s3  }
0xc: {  	[smem:$0x3F9F] =	sst s4  }
0xd: {  	[smem:$0x3FA0] =	sst s5  }
0xe: {  	[smem:$0x3FA1] =	sst s6  }
0xf: {  	[smem:$0x3FA2] =	sst s7  }
0x10: {  	[smem:$0x3FA3] =	sst s8  }
0x11: {  	[smem:$0x3FA4] =	sst s9;
	s0 =	simm.s32 @!p0 $0x0  }
0x12: {  	s1 =	sld [smem:$0x3F8A];
	s0 =	simm.s32 @p0 $0x1  }
0x13: {  	[smem:$0x3FA5] =	sst s0;
	s0 =	simm.s32 @!p1 $0x0  }
0x14: {  	s2 =	sld [smem:$0x3F89];
	s0 =	simm.s32 @p1 $0x1  }
0x15: {  	[smem:$0x3FA6] =	sst s0;
	s0 =	simm.s32 @!p2 $0x0  }
0x16: {  	s3 =	sld [smem:$0x3FDB];
	s0 =	simm.s32 @p2 $0x1  }
0x17: {  	s4 =	simm.s32 $0x1BF5;
	[smem:$0x3FA8] =	sst s0  }
0x18: {  	s0 =	sld [smem:$0x3F8B];
	_ =	swait.ge [sflag:s4], $0x0  }
0x19: {  	s7 =	sld [smem:$0x3F8C]  }
0x1a: {  	s8 =	sadd.s32 $0xFFFFE003, lr  }
0x1b: {  	s9 =	sadd.s32 $0xFFFFFEF7, lr;
	s5 =	simm.s32 $0xFFFFFFFF;
	p2 =	slt.u32 s8, $0xFFFFF086  }
0x1c: {  	p1 =	slt.u32 s9, $0xF7A;
	s5 =	simm.s32 @!p2 $0x0  }
0x1d: {  	s5 =	simm.s32 @p1 $0x1;
	p0 =	seq.s32 s7, s2  }
0x1e: {  	s7 =	smul.u32 @!p0 $0xF7A, s2;
	p2 =	seq.s32 @!p0 s5, $0x0  }
0x1f: {  	s9 =	smul.u32 $0xF7A, s1;
	s8 =	simm.s32 @!p0 $0x1BF5;
	p2 =	por !p2, p0  }
0x20: {  	[sflag:s8] =	ssyncset.s32 @!p0 $0xFFFFF086;
	s6 =	sadd.s32 @!p0 s3, s7;
	s7 =	simm.s32 @!p0 $0x108  }
0x21: {  	s3 =	sadd.s32 s3, s9;
	s6 =	sadd.s32 @!p0 $0x88, s6;
	s7 =	simm.s32 @p2 $0x1082  }
0x22: {  	[simem:s7], [sflag:s8] =	dma.local @!p0 [hbm:s6], $0xF7A  }
0x23: {  	s9 =	sor.u32 $0xD0000000, s2;
	s6 =	simm.s32 $0x108;
	_ =	swait.ge @!p0 [sflag:s8], $0x0  }
0x24: {  	s3 =	sadd.s32 $0x88, s3;
	s6 =	simm.s32 @!p1 $0x1082;
	[sflag:s4] =	ssyncset.s32 $0xFFFFF086  }
0x25: {  	[simem:s6], [sflag:s4] =	dma.local [hbm:s3], $0xF7A  }
0x26: {  	[smem:$0x3F8C] =	sst s1;
	(tag) =	ssettag s2;
	_ =	strace s9  }
0x27: {  	s1 =	sld [smem:$0x3F9C]  }
0x28: {  	s2 =	sld [smem:$0x3F9D]  }
0x29: {  	s4 =	sld [smem:$0x3F9F]  }
0x2a: {  	p0 =	seq.s32 s5, $0x0;
	s5 =	sld [smem:$0x3FA0]  }
0x2b: {  	s6 =	sld [smem:$0x3FA1]  }
0x2c: {  	s7 =	sld [smem:$0x3FA2]  }
0x2d: {  	s3 =	simm.s32 $0x108;
	s8 =	sld [smem:$0x3FA3]  }
0x2e: {  	s3 =	simm.s32 @!p0 $0x1082;
	s9 =	sld [smem:$0x3FA4]  }
0x2f: {  	lr =	sadd.s32 s0, s3;
	s0 =	sld [smem:$0x3F9B]  }
0x30: {  	s3 =	sld [smem:$0x3F9E]  }
0x31: {  	[smem:$0x3FA7] =	sst s10  }
0x32: {  	s10 =	sld [smem:$0x3FA5];
	_ =	sdelay $0x3  }
0x33: {  	p0 =	seq.s32 s10, $0x1;
	s10 =	sld [smem:$0x3FA7];
	_ =	sdelay $0x3  }
0x34: {  	[smem:$0x3FA7] =	sst s10  }
0x35: {  	s10 =	sld [smem:$0x3FA6];
	_ =	sdelay $0x3  }
0x36: {  	p1 =	seq.s32 s10, $0x1;
	s10 =	sld [smem:$0x3FA7];
	_ =	sdelay $0x3  }
0x37: {  	[smem:$0x3FA7] =	sst s10  }
0x38: {  	s10 =	sld [smem:$0x3FA8]  }
0x39: {  	_ = 	snop;
	(pc) =	sbr.ind lr, $3  }
0x3a: {  	_ = 	snop  }
0x3b: {  	_ = 	snop  }
0x3c: {  	p2 =	seq.s32 s10, $0x1;
	s10 =	sld [smem:$0x3FA7]  }
0x3d: {  	_ =	shalt  }
0x3e: {  	_ =	shalt  }
0x3f: {  	_ =	shalt  }
0x40: {  	_ =	shalt  }
0x41: {  	_ =	shalt  }
0x42: {  	_ =	shalt  }
0x43: {  	_ =	shalt  }
0x44: {  	_ =	shalt  }
0x45: {  	_ =	shalt  }
0x46: {  	_ =	shalt  }
0x47: {  	_ =	shalt  }
0x48: {  	_ =	shalt  }
0x49: {  	_ =	shalt  }
0x4a: {  	_ =	shalt  }
0x4b: {  	_ =	shalt  }
0x4c: {  	_ =	shalt  }
0x4d: {  	_ =	shalt  }
0x4e: {  	_ =	shalt  }
0x4f: {  	_ =	shalt  }
0x50: {  	_ =	shalt  }
0x51: {  	_ =	shalt  }
0x52: {  	_ =	shalt  }
0x53: {  	_ =	shalt  }
0x54: {  	_ =	shalt  }
0x55: {  	_ =	shalt  }
0x56: {  	_ =	shalt  }
0x57: {  	_ =	shalt  }
0x58: {  	_ =	shalt  }
0x59: {  	_ =	shalt  }
0x5a: {  	_ =	shalt  }
0x5b: {  	_ =	shalt  }
0x5c: {  	_ =	shalt  }
0x5d: {  	_ =	shalt  }
0x5e: {  	_ =	shalt  }
0x5f: {  	_ =	shalt  }
0x60: {  	_ =	shalt  }
0x61: {  	_ =	shalt  }
0x62: {  	_ =	shalt  }
0x63: {  	_ =	shalt  }
0x64: {  	_ =	shalt  }
0x65: {  	_ =	shalt  }
0x66: {  	_ =	shalt  }
0x67: {  	_ =	shalt  }
0x68: {  	_ =	shalt  }
0x69: {  	_ =	shalt  }
0x6a: {  	_ =	shalt  }
0x6b: {  	_ =	shalt  }
0x6c: {  	_ =	shalt  }
0x6d: {  	_ =	shalt  }
0x6e: {  	_ =	shalt  }
0x6f: {  	_ =	shalt  }
0x70: {  	_ =	shalt  }
0x71: {  	_ =	shalt  }
0x72: {  	_ =	shalt  }
0x73: {  	_ =	shalt  }
0x74: {  	_ =	shalt  }
0x75: {  	_ =	shalt  }
0x76: {  	_ =	shalt  }
0x77: {  	_ =	shalt  }
0x78: {  	_ =	shalt  }
0x79: {  	_ =	shalt  }
0x7a: {  	_ =	shalt  }
0x7b: {  	_ =	shalt  }
0x7c: {  	_ =	shalt  }
0x7d: {  	_ =	shalt  }
0x7e: {  	_ =	shalt  }
0x7f: {  	_ =	shalt  }
0x80: {  	_ =	shalt  }
0x81: {  	_ =	shalt  }
0x82: {  	_ =	shalt  }
0x83: {  	_ =	shalt  }
0x84: {  	_ =	shalt  }
0x85: {  	_ =	shalt  }
0x86: {  	_ =	shalt  }
0x87: {  	_ =	shalt  }
.Lfunc_end0:
.L_simem_size_0:
called_computation.1_lowered:
.L_overlay_start_0:
0x88: {  	s2 =	sld [smem:$0x3FD9]  }
0x89: {  	s3 =	sld [smem:$0x3FFE];
	_ =	sdelay $0x1  }
0x8a: {  	s1 =	srdreg.scid  }
0x8b: {  	s0 =	sand.u32 $0x1, s1  }
0x8c: {  	s17 =	sshll.u32 s0, $0xA;
	s2 =	sadd.s32 s3, s2  }
0x8d: {  	s2 =	sadd.s32 s2, s17  }
0x8e: {  	[smem:$0x3FB3] =	sst s2  }
0x8f: {  	_ = 	snop  }
0x90: {  	s18 =	sld [smem:$0x3FC9]  }
0x91: {  	s5 =	sld [smem:$0x3FC3]  }
0x92: {  	s4 =	sld [smem:$0x3FD0];
	(tm) =	ssettm $0x1  }
0x93: {  	s19 =	sld [smem:$0x3FFB];
	_ =	sdelay $0x3  }
0x94: {  	_ =	strace s19  }
0x95: {  	s2 =	sld [smem:$0x3FFC];
	_ =	sdelay $0x3  }
0x96: {  	_ =	strace s2  }
0x97: {  	s2 =	sld [smem:$0x3FFD];
	_ =	sdelay $0x3  }
0x98: {  	_ =	strace s2  }
0x99: {  	_ =	strace $0x8FFFFFFF  }
0x9a: {  	s20 =	sld [smem:$0x3FDB];
	_ =	sdelay $0x1  }
0x9b: {  	s6 =	simm.s32 $_scs_section_size  }
0x9c: {  	s7 =	simm.s32 $_size__tile_overlayer_lowered;
	s8 =	simm.s32 $_tile_overlayer_lowered  }
0x9d: {  	s9 =	simm.s32 $0x1BFF;
	s21 =	sshll.u32 s8, $0x1;
	s6 =	sadd.s32 s6, s20  }
0x9e: {  	s22 =	simm.s32 $0x0;
	s7 =	sshll.u32 s7, $0x1;
	s8 =	sadd.s32 s21, s6  }
0x9f: {  	[timem:s22], [sflag:s9] =	dma.local [hbm:s8], s7  }
0xa0: {  	_ =	swait.ge [sflag:s9], s7  }
0xa1: {  	s7 =	ssub.s32 $0x0, s7;
	[sflag:s9] =	ssyncset.done $0x0  }
0xa2: {  	[sflag:s9] =	ssyncadd.s32 s7;
	_ =	sdelay $0x1  }
0xa3: {  	s23 =	simm.s32 $0x1B8B  }
0xa4: {  	_ =	swait.ge [sflag:s23], $0x1  }
0xa5: {  	[sflag:s23] =	ssyncset.done $0x0  }
0xa6: {  	[sflag:s23] =	ssyncadd.s32 $0xFFFFFFFF  }
0xa7: {  	s7 =	sld [smem:$0x0]  }
0xa8: {  	s8 =	sand.u32 $0xFFFFFFFE, s1  }
0xa9: {  	p0 =	sne.s32 s1, s8  }
0xaa: {  	s8 =	sshll.u32 @p0 s8, $0xE  }
0xab: {  	s8 =	sadd.s32 @p0 $0x11B8D, s8;
	s9 =	sshll.u32 @p0 s7, $0x11  }
0xac: {  	s8 =	sor.u32 @p0 s9, s8  }
0xad: {  	[sflag:s8] =	ssyncadd.remote.s32 @p0 $0x1;
	_ =	sdelay $0x1  }
0xae: {  	s8 =	simm.s32 @p0 $0x1B8D  }
0xaf: {  	_ =	swait.eq @p0 [sflag:s8], $0x1  }
0xb0: {  	[sflag:s8] =	ssyncadd.s32 @p0 $0xFFFFFFFF  }
0xb1: {  	s9 =	sshll.u32 @!p0 s1, $0xE  }
0xb2: {  	s9 =	sor.u32 @!p0 $0x4000, s9;
	s8 =	simm.s32 @!p0 $0x1B8D  }
0xb3: {  	s7 =	sshll.u32 @!p0 s7, $0x11;
	s9 =	sadd.s32 @!p0 $0x11B8D, s9;
	_ =	swait.eq @!p0 [sflag:s8], $0x1  }
0xb4: {  	s7 =	sor.u32 @!p0 s7, s9;
	[sflag:s8] =	ssyncadd.s32 @!p0 $0xFFFFFFFF  }
0xb5: {  	s25 =	simm.s32 $0x1B8E;
	s24 =	sld [smem:$0x3FFE];
	[sflag:s7] =	ssyncadd.remote.s32 @!p0 $0x1  }
0xb6: {  	s26 =	simm.s32 $execute0_lowered;
	[smem:$0x3FD2] =	sst s25  }
0xb7: {  	s8 =	sshll.u32 s26, $0x1;
	_ =	strace $0x80000049;
	[dreg:$0x1] =	wrdreg $0xFFFFFFFF  }
0xb8: {  	s28 =	simm.s32 $_size_execute0_lowered;
	s6 =	sadd.s32 s6, s8;
	[dreg:$0x0] =	wrdreg $0x0  }
0xb9: {  	s8 =	sshll.u32 s28, $0x1;
	[dreg:$0x2] =	wrdreg s6  }
0xba: {  	[dreg:$0x3] =	wrdreg s8  }
0xbb: {  	[dreg:$0x4] =	wrdreg $0xC0  }
0xbc: {  	_ =	task [dreg:s22], $0x5FFFF  }
0xbd: {  	[dreg:$0x1] =	wrdreg $0xFFFFFFFF  }
0xbe: {  	[dreg:$0x0] =	wrdreg $0x60  }
0xbf: {  	[dreg:$0x2] =	wrdreg s5  }
0xc0: {  	[dreg:$0x3] =	wrdreg s24  }
0xc1: {  	[dreg:$0x4] =	wrdreg s18  }
0xc2: {  	[dreg:$0x5] =	wrdreg s4  }
0xc3: {  	[dreg:$0x6] =	wrdreg $0xA  }
0xc4: {  	_ =	task.clear_ibuf [dreg:s22], $0x7FFFF;
	_ =	strace $0x90000049  }
0xc5: {  	s29 =	simm.s32 $0xA;
	_ =	strace $0x8000004B  }
0xc6: {  	_ =	swait.ge [sflag:s29], $0x1  }
0xc7: {  	[sflag:s29] =	ssyncadd.s32 $0xFFFFFFFF  }
0xc8: {  	_ =	strace $0x9000004B  }
0xc9: {  	_ =	sfence  }
0xca: {  	s30 =	sld [smem:$0x0];
	_ =	sdelay $0x2  }
0xcb: {  	s31 =	sshll.u32 s1, $0xD;
	s1 =	sshrl.u32 s1, $0x2  }
0xcc: {  	s4 =	sand.u32 $0x4000, s31;
	s1 =	sadd.s32 s1, s30  }
0xcd: {  	s0 =	sor.u32 s4, s0;
	s1 =	sshll.u32 s1, $0x11  }
0xce: {  	s0 =	sor.u32 s1, s0  }
0xcf: {  	s0 =	sadd.s32 $0x8F2B, s0  }
0xd0: {  	[sflag:s0] =	ssyncadd.remote.s32 $0x1  }
0xd1: {  	_ =	sfence.sel $0xFFFF  }
0xd2: {  	[dreg:$0x0] =	wrdreg $0xFFFFFFFF;
	(pc) =	sbr.abs _section_cstart, $3  }
0xd3: {  	[dreg:$0x1] =	wrdreg $0xFFFFFFFF  }
0xd4: {  	_ =	task.clear_ibuf [dreg:s22], $0x2FFFF;
	_ =	strace $0x9FFFFFFF  }
0xd5: {  	(tm) =	ssettm $0x7FFFFFFF  }
tec
execute0_lowered:
.L_overlay_start_1:
0x0: {  	(tag) =	ssettag $0x1  }
0x1: {  	s1 =	rddreg [dreg:$0x0]  }
0x2: {  	s4 =	rddreg [dreg:$0x1]  }
0x3: {  	s5 =	rddreg [dreg:$0x2]  }
0x4: {  	s2 =	srdreg.scid;
	s0 =	stileid.u32  }
0x5: {  	s6 =	rddreg [dreg:$0x3];
	s3 =	simm.s32 $0x0;
	s15 =	simm.s32 $0x3  }
0x6: {  	s16 =	simm.s32 $0x1080;
	s17 =	simm.s32 $0x1;
	s18 =	simm.s32 $0x80  }
0x7: {  	s19 =	simm.s32 $0x5080;
	s20 =	simm.s32 $0x2;
	s21 =	simm.s32 $0xF80  }
0x8: {  	s22 =	simm.s32 $0x0;
	s8 =	sand.u32 $0x1, s2;
	s2 =	rddreg [dreg:$0x4]  }
0x9: {  	s7 =	sshll.u32 s0, $0x1;
	[smem:$0x7FF] =	sst s3;
	s12 =	sadd.s32 $0x4B400, s4  }
0xa: {  	s29 =	sshll.u32 s0, $0x11;
	s9 =	sor.u32 s8, s7;
	s10 =	ssub.s32 $0x2, s8  }
0xb: {  	_ =	strace $0x8000004A;
	s30 =	sshll.u32 s8, $0x10;
	s13 =	sadd.s32 s29, s12  }
0xc: {  	s7 =	sshll.u32 s9, $0x9;
	s11 =	sshrl.u32 s10, $0x1;
	s26 =	sshll.u32 s9, $0x4  }
0xd: {  	s28 =	sshll.u32 s9, $0xB;
	s9 =	sshll.u32 s9, $0x10;
	s14 =	sor.u32 s30, s29  }
0xe: {  	s7 =	sadd.s32 s7, s4;
	s10 =	ssub.s32 s10, s11;
	s5 =	sadd.s32 s5, s26  }
0xf: {  	s6 =	sadd.s32 s6, s28;
	s9 =	sadd.s32 s9, s12;
	s31 =	sadd.s32 s14, s12  }
0x10: {  	s12 =	simm.s32 $0x4;
	s14 =	simm.s32 $0x9080;
	s4 =	sadd.s32 $0x47400, s7  }
0x11: {  	s7 =	smax.u32 s10, $0x1;
	s8 =	sadd.s32 $0xF000, s9;
	s9 =	sadd.s32 $0xF800, s9  }
0x12: {  	s10 =	sadd.s32 s30, s13;
	s11 =	sadd.s32 $0x800, s31;
	s13 =	simm.s32 $0x1000  }
.LBB2_1:
0x13: {  	[tilespmem:s3], [sflag:$0x4] =	stream.linear.gather [hbm4b:s4+s3], $0x1000, $0x38;
	[tilespmem:$0xD080] =	vst v63  }
0x14: {  	_ =	swait.ge [sflag:s12], $0x1000  }
0x15: {  	[sflag:s12] =	ssyncset.done $0x0  }
0x16: {  	[sflag:s12] =	ssyncadd.s32 $0xFFFFF000  }
0x17: {  	[tilespmem:s13], [sflag:$0x4] =	stream.linear.gather [hbm4b:s5+s3], $0x80, $0x38;
	[tilespmem:$0xD080] =	vst v63  }
0x18: {  	_ =	swait.ge [sflag:s12], $0x80  }
0x19: {  	[sflag:s12] =	ssyncset.done $0x0  }
0x1a: {  	[sflag:s12] =	ssyncadd.s32 $0xFFFFFF80  }
0x1b: {  	[tilespmem:s14], [sflag:$0x3] =	stream.indirect.gather [hbm4b:s1+s18], $0x80, s13, s18, $0xb8;
	[tilespmem:$0xD080] =	vst v63  }
0x1c: {  	_ =	swait.ge [sflag:s15], $0x4000  }
0x1d: {  	[sflag:s15] =	ssyncset.done $0x0  }
0x1e: {  	[sflag:s15] =	ssyncadd.s32 $0xFFFFC000  }
0x1f: {  	[hbm4b:s6+s3] =	stream.linear.scatter [tilespmem:s14], [sflag:$0x4], $0x4000, $0x38;
	[tilespmem:$0xD080] =	vst v63  }
0x20: {  	_ =	swait.ge [sflag:s12], $0x4000  }
0x21: {  	[sflag:s12] =	ssyncset.done $0x0  }
0x22: {  	[sflag:s12] =	ssyncadd.s32 $0xFFFFC000  }
0x23: {  	[tilespmem:s16], [sflag:$0x1] =	stream.indirect.gather [hbm4b:s1+s18], $0x80, s3, s18, $0xb8;
	[tilespmem:$0xD080] =	vst v63  }
0x24: {  	_ =	swait.ge [sflag:s17], $0x4000  }
0x25: {  	[sflag:s17] =	ssyncset.done $0x0  }
0x26: {  	[sflag:s17] =	ssyncadd.s32 $0xFFFFC000  }
0x27: {  	[tilespmem:s19], [sflag:$0x2] =	stream.indirect.gather [hbm4b:s1+s18], $0x80, s18, s18, $0xb8;
	[tilespmem:$0xD080] =	vst v63  }
0x28: {  	s23 =	sadd.s32 $0x0, s10  }
0x29: {  	[hbm4b:s23+s3] =	stream.linear.scatter [tilespmem:s16], [sflag:$0x4], $0x4000, $0x38;
	[tilespmem:$0xD080] =	vst v63  }
0x2a: {  	_ =	swait.ge [sflag:s12], $0x4000  }
0x2b: {  	[sflag:s12] =	ssyncset.done $0x0  }
0x2c: {  	[sflag:s12] =	ssyncadd.s32 $0xFFFFC000  }
0x2d: {  	_ =	swait.ge [sflag:s20], $0x4000  }
0x2e: {  	[sflag:s20] =	ssyncset.done $0x0  }
0x2f: {  	s30 =	simm.s32 $0x100;
	[sflag:s20] =	ssyncadd.s32 $0xFFFFC000  }
0x30: {  	[tilespmem:s16], [sflag:$0x1] =	stream.indirect.gather [hbm4b:s1+s18], $0x80, s30, s18, $0xb8;
	[tilespmem:$0xD080] =	vst v63  }
0x31: {  	s31 =	sadd.s32 $0x0, s11  }
0x32: {  	[hbm4b:s31+s3] =	stream.linear.scatter [tilespmem:s19], [sflag:$0x4], $0x4000, $0x38;
	[tilespmem:$0xD080] =	vst v63  }
0x33: {  	_ =	swait.ge [sflag:s12], $0x4000  }
0x34: {  	s24 =	simm.s32 $0x80;
	s23 =	simm.s32 $0x1000;
	[sflag:s12] =	ssyncset.done $0x0  }
.LBB2_2:
0x35: {  	p0 =	sne.s32 s23, $0xE000;
	[sflag:s12] =	ssyncadd.s32 $0xFFFFC000;
	s24 =	sadd.s32 $0x100, s24  }
0x36: {  	s25 =	smov.u32 s23;
	s23 =	sadd.s32 $0x1000, s23  }
0x37: {  	_ =	swait.ge [sflag:s17], $0x4000  }
0x38: {  	[sflag:s17] =	ssyncset.done $0x0  }
0x39: {  	[sflag:s17] =	ssyncadd.s32 $0xFFFFC000  }
0x3a: {  	[tilespmem:s19], [sflag:$0x2] =	stream.indirect.gather [hbm4b:s1+s18], $0x80, s24, s18, $0xb8;
	[tilespmem:$0xD080] =	vst v63  }
0x3b: {  	s26 =	sadd.s32 s25, s10  }
0x3c: {  	[hbm4b:s26+s3] =	stream.linear.scatter [tilespmem:s16], [sflag:$0x4], $0x4000, $0x38;
	[tilespmem:$0xD080] =	vst v63  }
0x3d: {  	_ =	swait.ge [sflag:s12], $0x4000  }
0x3e: {  	[sflag:s12] =	ssyncset.done $0x0  }
0x3f: {  	[sflag:s12] =	ssyncadd.s32 $0xFFFFC000  }
0x40: {  	_ =	swait.ge [sflag:s20], $0x4000  }
0x41: {  	[sflag:s20] =	ssyncset.done $0x0  }
0x42: {  	s26 =	sadd.s32 $0x80, s24;
	[sflag:s20] =	ssyncadd.s32 $0xFFFFC000  }
0x43: {  	[tilespmem:s16], [sflag:$0x1] =	stream.indirect.gather [hbm4b:s1+s18], $0x80, s26, s18, $0xb8;
	[tilespmem:$0xD080] =	vst v63  }
.Ltmp0:
0x44: {  	_ = 	snop;
	(pc) =	sbr.rel @p0 .LBB2_2-.Ltmp0, $4  }
0x45: {  	s25 =	sadd.s32 s25, s11  }
0x46: {  	[hbm4b:s25+s3] =	stream.linear.scatter [tilespmem:s19], [sflag:$0x4], $0x4000, $0x38;
	[tilespmem:$0xD080] =	vst v63  }
0x47: {  	_ =	swait.ge [sflag:s12], $0x4000  }
0x48: {  	[sflag:s12] =	ssyncset.done $0x0  }
0x49: {  	[sflag:s12] =	ssyncadd.s32 $0xFFFFC000  }
0x4a: {  	_ =	swait.ge [sflag:s17], $0x4000  }
0x4b: {  	[sflag:s17] =	ssyncset.done $0x0  }
0x4c: {  	[sflag:s17] =	ssyncadd.s32 $0xFFFFC000  }
0x4d: {  	[tilespmem:s19], [sflag:$0x2] =	stream.indirect.gather [hbm4b:s1+s18], $0x80, s21, s18, $0xb8;
	[tilespmem:$0xD080] =	vst v63  }
0x4e: {  	_ = 	snop  }
0x4f: {  	[hbm4b:s8+s3] =	stream.linear.scatter [tilespmem:s16], [sflag:$0x4], $0x4000, $0x38;
	[tilespmem:$0xD080] =	vst v63  }
0x50: {  	_ =	swait.ge [sflag:s12], $0x4000  }
0x51: {  	[sflag:s12] =	ssyncset.done $0x0  }
0x52: {  	[sflag:s12] =	ssyncadd.s32 $0xFFFFC000  }
0x53: {  	s22 =	sadd.s32 $0x1, s22;
	_ =	swait.ge [sflag:s20], $0x4000  }
0x54: {  	p0 =	sne.s32 s22, s7;
	[sflag:s20] =	ssyncset.done $0x0  }
.Ltmp1:
0x55: {  	[sflag:s20] =	ssyncadd.s32 $0xFFFFC000;
	(pc) =	sbr.rel @p0 .LBB2_1-.Ltmp1, $4  }
0x56: {  	[hbm4b:s9+s3] =	stream.linear.scatter [tilespmem:s19], [sflag:$0x4], $0x4000, $0x38;
	[tilespmem:$0xD080] =	vst v63  }
0x57: {  	_ =	swait.ge [sflag:s12], $0x4000  }
0x58: {  	[sflag:s12] =	ssyncset.done $0x0  }
0x59: {  	[sflag:s12] =	ssyncadd.s32 $0xFFFFC000  }
0x5a: {  	_ =	sfence.sel $0x180000  }
0x5b: {  	[bflag:$0x0] =	sbarrier.arrive $0xFFFF  }
0x5c: {  	p0 =	sne.s32 s0, $0x0;
	_ =	strace $0x9000004A  }
0x5d: {  	s0 =	sadd.s32 @!p0 $0x100000, s2;
	[bflag:$0x2] =	sbarrier.arrive $0xFFFF  }
0x5e: {  	[sflag:s0] =	ssyncadd.tile.s32 @!p0 $0x1;
	_ =	shalt  }
.Lfunc_end2:
_tile_overlayer_lowered:
.L_overlay_start_2:
0x5f: {  	(tag) =	ssettag $0x2  }
0x60: {  	s0 =	rddreg [dreg:$0x0];
	s2 =	stileid.u32  }
0x61: {  	s1 =	rddreg [dreg:$0x1];
	p0 =	sne.s32 s2, $0x0  }
0x62: {  	s3 =	rddreg [dreg:$0x2];
	[bflag:$0x3] =	sbarrier.arrive $0xFFFF;
	s2 =	simm.s32 @!p0 $0x1C04  }
0x63: {  	[timem:s3], [sflag:s2] =	dma.local @!p0 [hbm:s0], s1  }
0x64: {  	s0 =	simm.s32 @!p0 $0x4  }
0x65: {  	_ =	swait.ge @!p0 [sflag:s0], s1  }
0x66: {  	s1 =	ssub.s32 @!p0 $0x0, s1;
	[sflag:s0] =	ssyncset.done @!p0 $0x0  }
0x67: {  	[sflag:s0] =	ssyncadd.s32 @!p0 s1  }
0x68: {  	[bflag:$0x3] =	sbarrier.arrive $0xFFFF  }
0x69: {  	_ =	shalt  }

</sc_bundles>
